<compile_context>
chip_gen: v7x
topology: tpu7x:2x2x1
jax: 0.10.2.dev20260603
libtpu: 0.0.44.dev20260713+nightly
codegen_flags: <defaults>
</compile_context>

<pallas_src>
import functools

import jax
import jax.numpy as jnp
from jax import lax
from jax.experimental import pallas as pl
from jax.experimental.pallas import tpu as pltpu
from jax.experimental.pallas import tpu_sc as plsc

B = 16384
DA = 64
DOUT = 128
V = 100000
H = 50176
NC = 2
NS = 16
NW = NC * NS
B_PER_W = B // NW
CHUNK = 128
NCHUNK = B_PER_W // CHUNK

_RT = 12544


def _pack16(lo_f32, hi_f32):
    lo = lax.bitcast_convert_type(
        lo_f32.astype(jnp.bfloat16), jnp.uint16).astype(jnp.uint32)
    hi = lax.bitcast_convert_type(
        hi_f32.astype(jnp.bfloat16), jnp.uint16).astype(jnp.uint32)
    return lax.bitcast_convert_type(lo | (hi << 16), jnp.float32)


def _proj_body_bias(t_lo_ref, t_hi_ref, w_ref, b_ref, out_ref):
    w = w_ref[...][:, :DA].astype(jnp.bfloat16)
    dn = (((0,), (1,)), ((), ()))
    lo = lax.dot_general(t_lo_ref[...].astype(jnp.bfloat16), w, dn,
                         preferred_element_type=jnp.float32) + b_ref[...]
    hi = lax.dot_general(t_hi_ref[...].astype(jnp.bfloat16), w, dn,
                         preferred_element_type=jnp.float32) + b_ref[...]
    out_ref[...] = _pack16(lo, hi)


def _proj_body_nobias(t_lo_ref, t_hi_ref, w_ref, out_ref):
    w = w_ref[...][:, DA:].astype(jnp.bfloat16)
    dn = (((0,), (1,)), ((), ()))
    lo = lax.dot_general(t_lo_ref[...].astype(jnp.bfloat16), w, dn,
                         preferred_element_type=jnp.float32)
    hi = lax.dot_general(t_hi_ref[...].astype(jnp.bfloat16), w, dn,
                         preferred_element_type=jnp.float32)
    out_ref[...] = _pack16(lo, hi)


def _tc_project(table_t, w_full, b2d=None):
    grid = (H // _RT,)
    specs = [
        pl.BlockSpec((DA, _RT), lambda i: (0, i)),
        pl.BlockSpec((DA, _RT), lambda i: (0, i + H // _RT)),
        pl.BlockSpec((DOUT, DOUT), lambda i: (0, 0)),
    ]
    args = [table_t, table_t, w_full]
    body = _proj_body_nobias
    if b2d is not None:
        specs.append(pl.BlockSpec((1, DOUT), lambda i: (0, 0)))
        args.append(b2d)
        body = _proj_body_bias
    return pl.pallas_call(
        body,
        grid=grid,
        compiler_params=pltpu.CompilerParams(
            fuse_transposed_lhs_in_matmul=True),
        in_specs=specs,
        out_specs=pl.BlockSpec((_RT, DOUT), lambda i: (i, 0)),
        out_shape=jax.ShapeDtypeStruct((H, DOUT), jnp.float32),
    )(*args)


@functools.partial(
    pl.kernel,
    mesh=plsc.VectorSubcoreMesh(core_axis_name="c", subcore_axis_name="s"),
    out_type=jax.ShapeDtypeStruct((B, DOUT), jnp.float32),
    scratch_types=[
        pltpu.VMEM((B_PER_W,), jnp.int32),
        pltpu.VMEM((B_PER_W, DOUT), jnp.float32),
        pltpu.SemaphoreType.DMA,
    ],
)
def _sc_gather(idx_hbm, t_hbm, out_hbm, idx_v, rows_v, sem):
    wid = lax.axis_index("s") * NC + lax.axis_index("c")
    base = wid * B_PER_W
    pltpu.sync_copy(idx_hbm.at[pl.ds(base, B_PER_W)], idx_v)
    copies = []
    for j in range(NCHUNK):
        copies.append(pltpu.async_copy(
            t_hbm.at[idx_v.at[pl.ds(j * CHUNK, CHUNK)]],
            rows_v.at[pl.ds(j * CHUNK, CHUNK)], sem))
    for c in copies:
        c.wait()
    pltpu.sync_copy(rows_v, out_hbm.at[pl.ds(base, B_PER_W)])


_BT = 8192


def _unpack16(packed_f32, shift):
    w = lax.bitcast_convert_type(packed_f32, jnp.uint32)
    half = lax.shift_right_logical(w, shift) & jnp.uint32(0xFFFF)
    return lax.bitcast_convert_type(
        half.astype(jnp.uint16), jnp.bfloat16).astype(jnp.float32)


def _addrelu_body(a_ref, m_ref, sa_ref, sm_ref, out_ref):
    va = _unpack16(a_ref[...], sa_ref[...].astype(jnp.uint32))
    vm = _unpack16(m_ref[...], sm_ref[...].astype(jnp.uint32))
    out_ref[...] = jnp.maximum(va + vm, 0.0)


def _tc_addrelu(ga, gm, sa, sm):
    return pl.pallas_call(
        _addrelu_body,
        grid=(B // _BT,),
        in_specs=[
            pl.BlockSpec((_BT, DOUT), lambda i: (i, 0)),
            pl.BlockSpec((_BT, DOUT), lambda i: (i, 0)),
            pl.BlockSpec((_BT, 1), lambda i: (i, 0)),
            pl.BlockSpec((_BT, 1), lambda i: (i, 0)),
        ],
        out_specs=pl.BlockSpec((_BT, DOUT), lambda i: (i, 0)),
        out_shape=jax.ShapeDtypeStruct((B, DOUT), jnp.float32),
    )(ga, gm, sa, sm)


def kernel(aff_idx, mat_idx, aff_table, mat_table, W, b):
    ai = aff_idx.astype(jnp.int32)
    mi = mat_idx.astype(jnp.int32)
    b2d = b.reshape(1, DOUT)
    sa = ((ai >= H) * 16).astype(jnp.int8).reshape(B, 1)
    sm = ((mi >= H) * 16).astype(jnp.int8).reshape(B, 1)
    proj_aff = _tc_project(aff_table.T, W, b2d)
    ga = _sc_gather(ai % H, proj_aff)
    proj_mat = _tc_project(mat_table.T, W)
    gm = _sc_gather(mi % H, proj_mat)
    return _tc_addrelu(ga, gm, sa, sm)

# --- scband reference (transcript-rebuilt; emitter-appended) ---
"""Pipeline reference for scband-part-encoder-39307540693437 (READ-ONLY COPY).

The authoritative reference and input builder live on the scoring server;
editing this copy changes nothing except your own understanding.
"""

import jax, jax.numpy as jnp
import numpy as np

B = 16384
V = 100000
DA = 64
DM = 64
DOUT = 128

def setup_inputs(seed: int = 0) -> dict:
    key = jax.random.key(seed)
    k1, k2, k3, k4, k5, k6 = jax.random.split(key, 6)
    aff_idx = jax.random.randint(k1, (B,), 0, V)
    mat_idx = jax.random.randint(k2, (B,), 0, V)
    aff_table = jax.random.normal(k3, (V, DA), dtype=jnp.float32)
    mat_table = jax.random.normal(k4, (V, DM), dtype=jnp.float32)
    W = jax.random.normal(k5, (DOUT, DA + DM), dtype=jnp.float32) * 0.05
    b = jax.random.normal(k6, (DOUT,), dtype=jnp.float32) * 0.05
    return {"aff_idx": aff_idx, "mat_idx": mat_idx, "aff_table": aff_table, "mat_table": mat_table, "W": W, "b": b}

def reference(aff_idx, mat_idx, aff_table, mat_table, W, b):
    # embedding lookups (gather) -> SparseCore friendly
    aff_embeds = jnp.take(aff_table, aff_idx, axis=0)
    mat_embeds = jnp.take(mat_table, mat_idx, axis=0)
    part_embeds = jnp.concatenate([aff_embeds, mat_embeds], axis=-1)
    part_encoding = jax.nn.relu(part_embeds @ W.T + b)
    return part_encoding

if __name__ == "__main__":
    import jax
    _d = setup_inputs()
    print(jax.jit(kernel)(*tuple(_d.values())))

</pallas_src>

<mosaic_0001>
#map = affine_map<(d0, d1) -> (0)>
#map1 = affine_map<(d0, d1) -> (0, 0)>
module attributes {stable_mosaic.version = 14 : i64} {
  func.func @_sc_gather(%arg0: i32, %arg1: i32, %arg2: memref<16384xi32, #tpu.memory_space<hbm>>, %arg3: memref<50176x128xf32, #tpu.memory_space<hbm>>, %arg4: memref<16384x128xf32, #tpu.memory_space<hbm>>, %arg5: memref<512xi32, #tpu.memory_space<vmem>>, %arg6: memref<512x128xf32, #tpu.memory_space<vmem>>, %arg7: memref<!tpu.dma_semaphore, #tpu.memory_space<semaphore_mem>>) attributes {dimension_semantics = [#tpu.dimension_semantics<core_parallel>, #tpu.dimension_semantics<subcore_parallel>], iteration_bounds = array<i64: 2, 16>, scalar_prefetch = 0 : i64, scratch_operands = 3 : i64, tpu.core_type = #tpu.core_type<sc_vector_subcore>, window_params = [{transform_indices = #map}, {transform_indices = #map1}, {transform_indices = #map1}]} {
    %mul3A = arith.constant 2 : i32
    %mul3A_0 = arith.muli %arg1, %mul3A : i32
    %add3A = arith.addi %mul3A_0, %arg0 : i32
    %mul3A_1 = arith.constant 512 : i32
    %mul3A_2 = arith.muli %add3A, %mul3A_1 : i32
    "tpu.region"() ({
      %run_scoped3A = tpu.sem_alloc : memref<!tpu.dma_semaphore, #tpu.memory_space<semaphore_mem>>
      %dma_start3A_65 = tpu.memref_slice %arg2[%mul3A_2] : memref<16384xi32, #tpu.memory_space<hbm>> -> memref<512xi32, #tpu.memory_space<hbm>>
      %dma_start3A_66 = tpu.memref_slice %arg2[%mul3A_2] : memref<16384xi32, #tpu.memory_space<hbm>> -> memref<512xi32, #tpu.memory_space<hbm>>
      tpu.enqueue_dma source(%dma_start3A_66 : memref<512xi32, #tpu.memory_space<hbm>>) target(%arg5 : memref<512xi32, #tpu.memory_space<vmem>>) target_semaphore(%run_scoped3A : memref<!tpu.dma_semaphore, #tpu.memory_space<semaphore_mem>>)
      %dma_wait3A_67 = tpu.memref_slice %arg2[%mul3A_2] : memref<16384xi32, #tpu.memory_space<hbm>> -> memref<512xi32, #tpu.memory_space<hbm>>
      %dma_wait3A_68 = tpu.memref_slice %arg2[%mul3A_2] : memref<16384xi32, #tpu.memory_space<hbm>> -> memref<512xi32, #tpu.memory_space<hbm>>
      tpu.wait_dma2 semaphore(%run_scoped3A : memref<!tpu.dma_semaphore, #tpu.memory_space<semaphore_mem>>) src(%dma_wait3A_68 : memref<512xi32, #tpu.memory_space<hbm>>) dst(%arg5 : memref<512xi32, #tpu.memory_space<vmem>>)
      tpu.yield
    }) : () -> ()
    %dma_start3A = arith.constant 0 : i32
    %dma_start3A_3 = arith.constant 0 : i32
    %dma_start3A_4 = tpu.memref_slice %arg6[%dma_start3A, %dma_start3A_3] : memref<512x128xf32, #tpu.memory_space<vmem>> -> memref<128x128xf32, #tpu.memory_space<vmem>>
    %dma_start3A_5 = arith.constant 0 : i32
    %dma_start3A_6 = tpu.memref_slice %arg5[%dma_start3A_5] : memref<512xi32, #tpu.memory_space<vmem>> -> memref<128xi32, #tpu.memory_space<vmem>>
    %dma_start3A_7 = arith.constant 0 : i32
    %dma_start3A_8 = arith.constant 0 : i32
    %dma_start3A_9 = tpu.memref_slice %arg3[%dma_start3A_7, %dma_start3A_8] : memref<50176x128xf32, #tpu.memory_space<hbm>> -> memref<50176x128xf32, #tpu.memory_space<hbm>>
    tpu.enqueue_indirect_dma source(%dma_start3A_9 : memref<50176x128xf32, #tpu.memory_space<hbm>>) target(%dma_start3A_4 : memref<128x128xf32, #tpu.memory_space<vmem>>) offsets(%dma_start3A_6 : memref<128xi32, #tpu.memory_space<vmem>>) semaphore(%arg7 : memref<!tpu.dma_semaphore, #tpu.memory_space<semaphore_mem>>)
    %dma_start3A_10 = arith.constant 128 : i32
    %dma_start3A_11 = arith.constant 0 : i32
    %dma_start3A_12 = tpu.memref_slice %arg6[%dma_start3A_10, %dma_start3A_11] : memref<512x128xf32, #tpu.memory_space<vmem>> -> memref<128x128xf32, #tpu.memory_space<vmem>>
    %dma_start3A_13 = arith.constant 128 : i32
    %dma_start3A_14 = tpu.memref_slice %arg5[%dma_start3A_13] : memref<512xi32, #tpu.memory_space<vmem>> -> memref<128xi32, #tpu.memory_space<vmem>>
    %dma_start3A_15 = arith.constant 0 : i32
    %dma_start3A_16 = arith.constant 0 : i32
    %dma_start3A_17 = tpu.memref_slice %arg3[%dma_start3A_15, %dma_start3A_16] : memref<50176x128xf32, #tpu.memory_space<hbm>> -> memref<50176x128xf32, #tpu.memory_space<hbm>>
    tpu.enqueue_indirect_dma source(%dma_start3A_17 : memref<50176x128xf32, #tpu.memory_space<hbm>>) target(%dma_start3A_12 : memref<128x128xf32, #tpu.memory_space<vmem>>) offsets(%dma_start3A_14 : memref<128xi32, #tpu.memory_space<vmem>>) semaphore(%arg7 : memref<!tpu.dma_semaphore, #tpu.memory_space<semaphore_mem>>)
    %dma_start3A_18 = arith.constant 256 : i32
    %dma_start3A_19 = arith.constant 0 : i32
    %dma_start3A_20 = tpu.memref_slice %arg6[%dma_start3A_18, %dma_start3A_19] : memref<512x128xf32, #tpu.memory_space<vmem>> -> memref<128x128xf32, #tpu.memory_space<vmem>>
    %dma_start3A_21 = arith.constant 256 : i32
    %dma_start3A_22 = tpu.memref_slice %arg5[%dma_start3A_21] : memref<512xi32, #tpu.memory_space<vmem>> -> memref<128xi32, #tpu.memory_space<vmem>>
    %dma_start3A_23 = arith.constant 0 : i32
    %dma_start3A_24 = arith.constant 0 : i32
    %dma_start3A_25 = tpu.memref_slice %arg3[%dma_start3A_23, %dma_start3A_24] : memref<50176x128xf32, #tpu.memory_space<hbm>> -> memref<50176x128xf32, #tpu.memory_space<hbm>>
    tpu.enqueue_indirect_dma source(%dma_start3A_25 : memref<50176x128xf32, #tpu.memory_space<hbm>>) target(%dma_start3A_20 : memref<128x128xf32, #tpu.memory_space<vmem>>) offsets(%dma_start3A_22 : memref<128xi32, #tpu.memory_space<vmem>>) semaphore(%arg7 : memref<!tpu.dma_semaphore, #tpu.memory_space<semaphore_mem>>)
    %dma_start3A_26 = arith.constant 384 : i32
    %dma_start3A_27 = arith.constant 0 : i32
    %dma_start3A_28 = tpu.memref_slice %arg6[%dma_start3A_26, %dma_start3A_27] : memref<512x128xf32, #tpu.memory_space<vmem>> -> memref<128x128xf32, #tpu.memory_space<vmem>>
    %dma_start3A_29 = arith.constant 384 : i32
    %dma_start3A_30 = tpu.memref_slice %arg5[%dma_start3A_29] : memref<512xi32, #tpu.memory_space<vmem>> -> memref<128xi32, #tpu.memory_space<vmem>>
    %dma_start3A_31 = arith.constant 0 : i32
    %dma_start3A_32 = arith.constant 0 : i32
    %dma_start3A_33 = tpu.memref_slice %arg3[%dma_start3A_31, %dma_start3A_32] : memref<50176x128xf32, #tpu.memory_space<hbm>> -> memref<50176x128xf32, #tpu.memory_space<hbm>>
    tpu.enqueue_indirect_dma source(%dma_start3A_33 : memref<50176x128xf32, #tpu.memory_space<hbm>>) target(%dma_start3A_28 : memref<128x128xf32, #tpu.memory_space<vmem>>) offsets(%dma_start3A_30 : memref<128xi32, #tpu.memory_space<vmem>>) semaphore(%arg7 : memref<!tpu.dma_semaphore, #tpu.memory_space<semaphore_mem>>)
    %dma_wait3A = arith.constant 0 : i32
    %dma_wait3A_34 = arith.constant 0 : i32
    %dma_wait3A_35 = tpu.memref_slice %arg6[%dma_wait3A, %dma_wait3A_34] : memref<512x128xf32, #tpu.memory_space<vmem>> -> memref<128x128xf32, #tpu.memory_space<vmem>>
    %dma_wait3A_36 = arith.constant 0 : i32
    %dma_wait3A_37 = tpu.memref_slice %arg5[%dma_wait3A_36] : memref<512xi32, #tpu.memory_space<vmem>> -> memref<128xi32, #tpu.memory_space<vmem>>
    %dma_wait3A_38 = arith.constant 0 : i32
    %dma_wait3A_39 = arith.constant 0 : i32
    %dma_wait3A_40 = tpu.memref_slice %arg3[%dma_wait3A_38, %dma_wait3A_39] : memref<50176x128xf32, #tpu.memory_space<hbm>> -> memref<50176x128xf32, #tpu.memory_space<hbm>>
    tpu.wait_indirect_dma semaphore(%arg7 : memref<!tpu.dma_semaphore, #tpu.memory_space<semaphore_mem>>) src(%dma_wait3A_40 : memref<50176x128xf32, #tpu.memory_space<hbm>>) dst(%dma_wait3A_35 : memref<128x128xf32, #tpu.memory_space<vmem>>)
    %dma_wait3A_41 = arith.constant 128 : i32
    %dma_wait3A_42 = arith.constant 0 : i32
    %dma_wait3A_43 = tpu.memref_slice %arg6[%dma_wait3A_41, %dma_wait3A_42] : memref<512x128xf32, #tpu.memory_space<vmem>> -> memref<128x128xf32, #tpu.memory_space<vmem>>
    %dma_wait3A_44 = arith.constant 128 : i32
    %dma_wait3A_45 = tpu.memref_slice %arg5[%dma_wait3A_44] : memref<512xi32, #tpu.memory_space<vmem>> -> memref<128xi32, #tpu.memory_space<vmem>>
    %dma_wait3A_46 = arith.constant 0 : i32
    %dma_wait3A_47 = arith.constant 0 : i32
    %dma_wait3A_48 = tpu.memref_slice %arg3[%dma_wait3A_46, %dma_wait3A_47] : memref<50176x128xf32, #tpu.memory_space<hbm>> -> memref<50176x128xf32, #tpu.memory_space<hbm>>
    tpu.wait_indirect_dma semaphore(%arg7 : memref<!tpu.dma_semaphore, #tpu.memory_space<semaphore_mem>>) src(%dma_wait3A_48 : memref<50176x128xf32, #tpu.memory_space<hbm>>) dst(%dma_wait3A_43 : memref<128x128xf32, #tpu.memory_space<vmem>>)
    %dma_wait3A_49 = arith.constant 256 : i32
    %dma_wait3A_50 = arith.constant 0 : i32
    %dma_wait3A_51 = tpu.memref_slice %arg6[%dma_wait3A_49, %dma_wait3A_50] : memref<512x128xf32, #tpu.memory_space<vmem>> -> memref<128x128xf32, #tpu.memory_space<vmem>>
    %dma_wait3A_52 = arith.constant 256 : i32
    %dma_wait3A_53 = tpu.memref_slice %arg5[%dma_wait3A_52] : memref<512xi32, #tpu.memory_space<vmem>> -> memref<128xi32, #tpu.memory_space<vmem>>
    %dma_wait3A_54 = arith.constant 0 : i32
    %dma_wait3A_55 = arith.constant 0 : i32
    %dma_wait3A_56 = tpu.memref_slice %arg3[%dma_wait3A_54, %dma_wait3A_55] : memref<50176x128xf32, #tpu.memory_space<hbm>> -> memref<50176x128xf32, #tpu.memory_space<hbm>>
    tpu.wait_indirect_dma semaphore(%arg7 : memref<!tpu.dma_semaphore, #tpu.memory_space<semaphore_mem>>) src(%dma_wait3A_56 : memref<50176x128xf32, #tpu.memory_space<hbm>>) dst(%dma_wait3A_51 : memref<128x128xf32, #tpu.memory_space<vmem>>)
    %dma_wait3A_57 = arith.constant 384 : i32
    %dma_wait3A_58 = arith.constant 0 : i32
    %dma_wait3A_59 = tpu.memref_slice %arg6[%dma_wait3A_57, %dma_wait3A_58] : memref<512x128xf32, #tpu.memory_space<vmem>> -> memref<128x128xf32, #tpu.memory_space<vmem>>
    %dma_wait3A_60 = arith.constant 384 : i32
    %dma_wait3A_61 = tpu.memref_slice %arg5[%dma_wait3A_60] : memref<512xi32, #tpu.memory_space<vmem>> -> memref<128xi32, #tpu.memory_space<vmem>>
    %dma_wait3A_62 = arith.constant 0 : i32
    %dma_wait3A_63 = arith.constant 0 : i32
    %dma_wait3A_64 = tpu.memref_slice %arg3[%dma_wait3A_62, %dma_wait3A_63] : memref<50176x128xf32, #tpu.memory_space<hbm>> -> memref<50176x128xf32, #tpu.memory_space<hbm>>
    tpu.wait_indirect_dma semaphore(%arg7 : memref<!tpu.dma_semaphore, #tpu.memory_space<semaphore_mem>>) src(%dma_wait3A_64 : memref<50176x128xf32, #tpu.memory_space<hbm>>) dst(%dma_wait3A_59 : memref<128x128xf32, #tpu.memory_space<vmem>>)
    "tpu.region"() ({
      %run_scoped3A = tpu.sem_alloc : memref<!tpu.dma_semaphore, #tpu.memory_space<semaphore_mem>>
      %dma_start3A_65 = arith.constant 0 : i32
      %dma_start3A_66 = tpu.memref_slice %arg4[%mul3A_2, %dma_start3A_65] : memref<16384x128xf32, #tpu.memory_space<hbm>> -> memref<512x128xf32, #tpu.memory_space<hbm>>
      %dma_start3A_67 = arith.constant 0 : i32
      %dma_start3A_68 = tpu.memref_slice %arg4[%mul3A_2, %dma_start3A_67] : memref<16384x128xf32, #tpu.memory_space<hbm>> -> memref<512x128xf32, #tpu.memory_space<hbm>>
      tpu.enqueue_dma source(%arg6 : memref<512x128xf32, #tpu.memory_space<vmem>>) target(%dma_start3A_68 : memref<512x128xf32, #tpu.memory_space<hbm>>) target_semaphore(%run_scoped3A : memref<!tpu.dma_semaphore, #tpu.memory_space<semaphore_mem>>)
      %dma_wait3A_69 = arith.constant 0 : i32
      %dma_wait3A_70 = tpu.memref_slice %arg4[%mul3A_2, %dma_wait3A_69] : memref<16384x128xf32, #tpu.memory_space<hbm>> -> memref<512x128xf32, #tpu.memory_space<hbm>>
      %dma_wait3A_71 = arith.constant 0 : i32
      %dma_wait3A_72 = tpu.memref_slice %arg4[%mul3A_2, %dma_wait3A_71] : memref<16384x128xf32, #tpu.memory_space<hbm>> -> memref<512x128xf32, #tpu.memory_space<hbm>>
      tpu.wait_dma2 semaphore(%run_scoped3A : memref<!tpu.dma_semaphore, #tpu.memory_space<semaphore_mem>>) src(%arg6 : memref<512x128xf32, #tpu.memory_space<vmem>>) dst(%dma_wait3A_72 : memref<512x128xf32, #tpu.memory_space<hbm>>)
      tpu.yield
    }) : () -> ()
    return
  }
}

#map = affine_map<(d0, d1) -> (0)>
#map1 = affine_map<(d0, d1) -> (0, 0)>
module attributes {stable_mosaic.version = 14 : i64} {
  func.func @_sc_gather(%arg0: i32, %arg1: i32, %arg2: memref<16384xi32, #tpu.memory_space<hbm>>, %arg3: memref<50176x128xf32, #tpu.memory_space<hbm>>, %arg4: memref<16384x128xf32, #tpu.memory_space<hbm>>, %arg5: memref<512xi32, #tpu.memory_space<vmem>>, %arg6: memref<512x128xf32, #tpu.memory_space<vmem>>, %arg7: memref<!tpu.dma_semaphore, #tpu.memory_space<semaphore_mem>>) attributes {dimension_semantics = [#tpu.dimension_semantics<core_parallel>, #tpu.dimension_semantics<subcore_parallel>], iteration_bounds = array<i64: 2, 16>, scalar_prefetch = 0 : i64, scratch_operands = 3 : i64, tpu.core_type = #tpu.core_type<sc_vector_subcore>, window_params = [{transform_indices = #map}, {transform_indices = #map1}, {transform_indices = #map1}]} {
    %mul3A = arith.constant 2 : i32
    %mul3A_0 = arith.muli %arg1, %mul3A : i32
    %add3A = arith.addi %mul3A_0, %arg0 : i32
    %mul3A_1 = arith.constant 512 : i32
    %mul3A_2 = arith.muli %add3A, %mul3A_1 : i32
    "tpu.region"() ({
      %run_scoped3A = tpu.sem_alloc : memref<!tpu.dma_semaphore, #tpu.memory_space<semaphore_mem>>
      %dma_start3A_65 = tpu.memref_slice %arg2[%mul3A_2] : memref<16384xi32, #tpu.memory_space<hbm>> -> memref<512xi32, #tpu.memory_space<hbm>>
      %dma_start3A_66 = tpu.memref_slice %arg2[%mul3A_2] : memref<16384xi32, #tpu.memory_space<hbm>> -> memref<512xi32, #tpu.memory_space<hbm>>
      tpu.enqueue_dma source(%dma_start3A_66 : memref<512xi32, #tpu.memory_space<hbm>>) target(%arg5 : memref<512xi32, #tpu.memory_space<vmem>>) target_semaphore(%run_scoped3A : memref<!tpu.dma_semaphore, #tpu.memory_space<semaphore_mem>>)
      %dma_wait3A_67 = tpu.memref_slice %arg2[%mul3A_2] : memref<16384xi32, #tpu.memory_space<hbm>> -> memref<512xi32, #tpu.memory_space<hbm>>
      %dma_wait3A_68 = tpu.memref_slice %arg2[%mul3A_2] : memref<16384xi32, #tpu.memory_space<hbm>> -> memref<512xi32, #tpu.memory_space<hbm>>
      tpu.wait_dma2 semaphore(%run_scoped3A : memref<!tpu.dma_semaphore, #tpu.memory_space<semaphore_mem>>) src(%dma_wait3A_68 : memref<512xi32, #tpu.memory_space<hbm>>) dst(%arg5 : memref<512xi32, #tpu.memory_space<vmem>>)
      tpu.yield
    }) : () -> ()
    %dma_start3A = arith.constant 0 : i32
    %dma_start3A_3 = arith.constant 0 : i32
    %dma_start3A_4 = tpu.memref_slice %arg6[%dma_start3A, %dma_start3A_3] : memref<512x128xf32, #tpu.memory_space<vmem>> -> memref<128x128xf32, #tpu.memory_space<vmem>>
    %dma_start3A_5 = arith.constant 0 : i32
    %dma_start3A_6 = tpu.memref_slice %arg5[%dma_start3A_5] : memref<512xi32, #tpu.memory_space<vmem>> -> memref<128xi32, #tpu.memory_space<vmem>>
    %dma_start3A_7 = arith.constant 0 : i32
    %dma_start3A_8 = arith.constant 0 : i32
    %dma_start3A_9 = tpu.memref_slice %arg3[%dma_start3A_7, %dma_start3A_8] : memref<50176x128xf32, #tpu.memory_space<hbm>> -> memref<50176x128xf32, #tpu.memory_space<hbm>>
    tpu.enqueue_indirect_dma source(%dma_start3A_9 : memref<50176x128xf32, #tpu.memory_space<hbm>>) target(%dma_start3A_4 : memref<128x128xf32, #tpu.memory_space<vmem>>) offsets(%dma_start3A_6 : memref<128xi32, #tpu.memory_space<vmem>>) semaphore(%arg7 : memref<!tpu.dma_semaphore, #tpu.memory_space<semaphore_mem>>)
    %dma_start3A_10 = arith.constant 128 : i32
    %dma_start3A_11 = arith.constant 0 : i32
    %dma_start3A_12 = tpu.memref_slice %arg6[%dma_start3A_10, %dma_start3A_11] : memref<512x128xf32, #tpu.memory_space<vmem>> -> memref<128x128xf32, #tpu.memory_space<vmem>>
    %dma_start3A_13 = arith.constant 128 : i32
    %dma_start3A_14 = tpu.memref_slice %arg5[%dma_start3A_13] : memref<512xi32, #tpu.memory_space<vmem>> -> memref<128xi32, #tpu.memory_space<vmem>>
    %dma_start3A_15 = arith.constant 0 : i32
    %dma_start3A_16 = arith.constant 0 : i32
    %dma_start3A_17 = tpu.memref_slice %arg3[%dma_start3A_15, %dma_start3A_16] : memref<50176x128xf32, #tpu.memory_space<hbm>> -> memref<50176x128xf32, #tpu.memory_space<hbm>>
    tpu.enqueue_indirect_dma source(%dma_start3A_17 : memref<50176x128xf32, #tpu.memory_space<hbm>>) target(%dma_start3A_12 : memref<128x128xf32, #tpu.memory_space<vmem>>) offsets(%dma_start3A_14 : memref<128xi32, #tpu.memory_space<vmem>>) semaphore(%arg7 : memref<!tpu.dma_semaphore, #tpu.memory_space<semaphore_mem>>)
    %dma_start3A_18 = arith.constant 256 : i32
    %dma_start3A_19 = arith.constant 0 : i32
    %dma_start3A_20 = tpu.memref_slice %arg6[%dma_start3A_18, %dma_start3A_19] : memref<512x128xf32, #tpu.memory_space<vmem>> -> memref<128x128xf32, #tpu.memory_space<vmem>>
    %dma_start3A_21 = arith.constant 256 : i32
    %dma_start3A_22 = tpu.memref_slice %arg5[%dma_start3A_21] : memref<512xi32, #tpu.memory_space<vmem>> -> memref<128xi32, #tpu.memory_space<vmem>>
    %dma_start3A_23 = arith.constant 0 : i32
    %dma_start3A_24 = arith.constant 0 : i32
    %dma_start3A_25 = tpu.memref_slice %arg3[%dma_start3A_23, %dma_start3A_24] : memref<50176x128xf32, #tpu.memory_space<hbm>> -> memref<50176x128xf32, #tpu.memory_space<hbm>>
    tpu.enqueue_indirect_dma source(%dma_start3A_25 : memref<50176x128xf32, #tpu.memory_space<hbm>>) target(%dma_start3A_20 : memref<128x128xf32, #tpu.memory_space<vmem>>) offsets(%dma_start3A_22 : memref<128xi32, #tpu.memory_space<vmem>>) semaphore(%arg7 : memref<!tpu.dma_semaphore, #tpu.memory_space<semaphore_mem>>)
    %dma_start3A_26 = arith.constant 384 : i32
    %dma_start3A_27 = arith.constant 0 : i32
    %dma_start3A_28 = tpu.memref_slice %arg6[%dma_start3A_26, %dma_start3A_27] : memref<512x128xf32, #tpu.memory_space<vmem>> -> memref<128x128xf32, #tpu.memory_space<vmem>>
    %dma_start3A_29 = arith.constant 384 : i32
    %dma_start3A_30 = tpu.memref_slice %arg5[%dma_start3A_29] : memref<512xi32, #tpu.memory_space<vmem>> -> memref<128xi32, #tpu.memory_space<vmem>>
    %dma_start3A_31 = arith.constant 0 : i32
    %dma_start3A_32 = arith.constant 0 : i32
    %dma_start3A_33 = tpu.memref_slice %arg3[%dma_start3A_31, %dma_start3A_32] : memref<50176x128xf32, #tpu.memory_space<hbm>> -> memref<50176x128xf32, #tpu.memory_space<hbm>>
    tpu.enqueue_indirect_dma source(%dma_start3A_33 : memref<50176x128xf32, #tpu.memory_space<hbm>>) target(%dma_start3A_28 : memref<128x128xf32, #tpu.memory_space<vmem>>) offsets(%dma_start3A_30 : memref<128xi32, #tpu.memory_space<vmem>>) semaphore(%arg7 : memref<!tpu.dma_semaphore, #tpu.memory_space<semaphore_mem>>)
    %dma_wait3A = arith.constant 0 : i32
    %dma_wait3A_34 = arith.constant 0 : i32
    %dma_wait3A_35 = tpu.memref_slice %arg6[%dma_wait3A, %dma_wait3A_34] : memref<512x128xf32, #tpu.memory_space<vmem>> -> memref<128x128xf32, #tpu.memory_space<vmem>>
    %dma_wait3A_36 = arith.constant 0 : i32
    %dma_wait3A_37 = tpu.memref_slice %arg5[%dma_wait3A_36] : memref<512xi32, #tpu.memory_space<vmem>> -> memref<128xi32, #tpu.memory_space<vmem>>
    %dma_wait3A_38 = arith.constant 0 : i32
    %dma_wait3A_39 = arith.constant 0 : i32
    %dma_wait3A_40 = tpu.memref_slice %arg3[%dma_wait3A_38, %dma_wait3A_39] : memref<50176x128xf32, #tpu.memory_space<hbm>> -> memref<50176x128xf32, #tpu.memory_space<hbm>>
    tpu.wait_indirect_dma semaphore(%arg7 : memref<!tpu.dma_semaphore, #tpu.memory_space<semaphore_mem>>) src(%dma_wait3A_40 : memref<50176x128xf32, #tpu.memory_space<hbm>>) dst(%dma_wait3A_35 : memref<128x128xf32, #tpu.memory_space<vmem>>)
    %dma_wait3A_41 = arith.constant 128 : i32
    %dma_wait3A_42 = arith.constant 0 : i32
    %dma_wait3A_43 = tpu.memref_slice %arg6[%dma_wait3A_41, %dma_wait3A_42] : memref<512x128xf32, #tpu.memory_space<vmem>> -> memref<128x128xf32, #tpu.memory_space<vmem>>
    %dma_wait3A_44 = arith.constant 128 : i32
    %dma_wait3A_45 = tpu.memref_slice %arg5[%dma_wait3A_44] : memref<512xi32, #tpu.memory_space<vmem>> -> memref<128xi32, #tpu.memory_space<vmem>>
    %dma_wait3A_46 = arith.constant 0 : i32
    %dma_wait3A_47 = arith.constant 0 : i32
    %dma_wait3A_48 = tpu.memref_slice %arg3[%dma_wait3A_46, %dma_wait3A_47] : memref<50176x128xf32, #tpu.memory_space<hbm>> -> memref<50176x128xf32, #tpu.memory_space<hbm>>
    tpu.wait_indirect_dma semaphore(%arg7 : memref<!tpu.dma_semaphore, #tpu.memory_space<semaphore_mem>>) src(%dma_wait3A_48 : memref<50176x128xf32, #tpu.memory_space<hbm>>) dst(%dma_wait3A_43 : memref<128x128xf32, #tpu.memory_space<vmem>>)
    %dma_wait3A_49 = arith.constant 256 : i32
    %dma_wait3A_50 = arith.constant 0 : i32
    %dma_wait3A_51 = tpu.memref_slice %arg6[%dma_wait3A_49, %dma_wait3A_50] : memref<512x128xf32, #tpu.memory_space<vmem>> -> memref<128x128xf32, #tpu.memory_space<vmem>>
    %dma_wait3A_52 = arith.constant 256 : i32
    %dma_wait3A_53 = tpu.memref_slice %arg5[%dma_wait3A_52] : memref<512xi32, #tpu.memory_space<vmem>> -> memref<128xi32, #tpu.memory_space<vmem>>
    %dma_wait3A_54 = arith.constant 0 : i32
    %dma_wait3A_55 = arith.constant 0 : i32
    %dma_wait3A_56 = tpu.memref_slice %arg3[%dma_wait3A_54, %dma_wait3A_55] : memref<50176x128xf32, #tpu.memory_space<hbm>> -> memref<50176x128xf32, #tpu.memory_space<hbm>>
    tpu.wait_indirect_dma semaphore(%arg7 : memref<!tpu.dma_semaphore, #tpu.memory_space<semaphore_mem>>) src(%dma_wait3A_56 : memref<50176x128xf32, #tpu.memory_space<hbm>>) dst(%dma_wait3A_51 : memref<128x128xf32, #tpu.memory_space<vmem>>)
    %dma_wait3A_57 = arith.constant 384 : i32
    %dma_wait3A_58 = arith.constant 0 : i32
    %dma_wait3A_59 = tpu.memref_slice %arg6[%dma_wait3A_57, %dma_wait3A_58] : memref<512x128xf32, #tpu.memory_space<vmem>> -> memref<128x128xf32, #tpu.memory_space<vmem>>
    %dma_wait3A_60 = arith.constant 384 : i32
    %dma_wait3A_61 = tpu.memref_slice %arg5[%dma_wait3A_60] : memref<512xi32, #tpu.memory_space<vmem>> -> memref<128xi32, #tpu.memory_space<vmem>>
    %dma_wait3A_62 = arith.constant 0 : i32
    %dma_wait3A_63 = arith.constant 0 : i32
    %dma_wait3A_64 = tpu.memref_slice %arg3[%dma_wait3A_62, %dma_wait3A_63] : memref<50176x128xf32, #tpu.memory_space<hbm>> -> memref<50176x128xf32, #tpu.memory_space<hbm>>
    tpu.wait_indirect_dma semaphore(%arg7 : memref<!tpu.dma_semaphore, #tpu.memory_space<semaphore_mem>>) src(%dma_wait3A_64 : memref<50176x128xf32, #tpu.memory_space<hbm>>) dst(%dma_wait3A_59 : memref<128x128xf32, #tpu.memory_space<vmem>>)
    "tpu.region"() ({
      %run_scoped3A = tpu.sem_alloc : memref<!tpu.dma_semaphore, #tpu.memory_space<semaphore_mem>>
      %dma_start3A_65 = arith.constant 0 : i32
      %dma_start3A_66 = tpu.memref_slice %arg4[%mul3A_2, %dma_start3A_65] : memref<16384x128xf32, #tpu.memory_space<hbm>> -> memref<512x128xf32, #tpu.memory_space<hbm>>
      %dma_start3A_67 = arith.constant 0 : i32
      %dma_start3A_68 = tpu.memref_slice %arg4[%mul3A_2, %dma_start3A_67] : memref<16384x128xf32, #tpu.memory_space<hbm>> -> memref<512x128xf32, #tpu.memory_space<hbm>>
      tpu.enqueue_dma source(%arg6 : memref<512x128xf32, #tpu.memory_space<vmem>>) target(%dma_start3A_68 : memref<512x128xf32, #tpu.memory_space<hbm>>) target_semaphore(%run_scoped3A : memref<!tpu.dma_semaphore, #tpu.memory_space<semaphore_mem>>)
      %dma_wait3A_69 = arith.constant 0 : i32
      %dma_wait3A_70 = tpu.memref_slice %arg4[%mul3A_2, %dma_wait3A_69] : memref<16384x128xf32, #tpu.memory_space<hbm>> -> memref<512x128xf32, #tpu.memory_space<hbm>>
      %dma_wait3A_71 = arith.constant 0 : i32
      %dma_wait3A_72 = tpu.memref_slice %arg4[%mul3A_2, %dma_wait3A_71] : memref<16384x128xf32, #tpu.memory_space<hbm>> -> memref<512x128xf32, #tpu.memory_space<hbm>>
      tpu.wait_dma2 semaphore(%run_scoped3A : memref<!tpu.dma_semaphore, #tpu.memory_space<semaphore_mem>>) src(%arg6 : memref<512x128xf32, #tpu.memory_space<vmem>>) dst(%dma_wait3A_72 : memref<512x128xf32, #tpu.memory_space<hbm>>)
      tpu.yield
    }) : () -> ()
    return
  }
}

module attributes {stable_mosaic.version = 14 : i64} {
  func.func @_proj_body_nobias(%arg0: i32, %arg1: memref<64x12544xf32, #tpu.memory_space<vmem>>, %arg2: memref<64x12544xf32, #tpu.memory_space<vmem>>, %arg3: memref<128x128xf32, #tpu.memory_space<vmem>>, %arg4: memref<12544x128xf32, #tpu.memory_space<vmem>>) attributes {dimension_semantics = [#tpu.dimension_semantics<arbitrary>], iteration_bounds = array<i64: 4>, scalar_prefetch = 0 : i64, scratch_operands = 0 : i64, tpu.core_type = #tpu.core_type<tc>, window_params = [{transform_indices = @transform_0, window_bounds = array<i64: 64, 12544>}, {transform_indices = @transform_1, window_bounds = array<i64: 64, 12544>}, {pipeline_mode = #tpu.pipeline_mode<synchronous>, transform_indices = @transform_2, window_bounds = array<i64: 128, 128>}, {transform_indices = @transform_3, window_bounds = array<i64: 12544, 128>}]} {
    %get3A = arith.constant 0 : index
    %get3A_0 = arith.constant 0 : index
    %get3A_1 = vector.load %arg3[%get3A, %get3A_0] : memref<128x128xf32, #tpu.memory_space<vmem>>, vector<128x128xf32>
    %slice3A = vector.extract_strided_slice %get3A_1 {offsets = [0, 64], sizes = [128, 64], strides = [1, 1]} : vector<128x128xf32> to vector<128x64xf32>
    %convert_element_type3A = arith.truncf %slice3A : vector<128x64xf32> to vector<128x64xbf16>
    %get3A_2 = arith.constant 0 : index
    %get3A_3 = arith.constant 0 : index
    %get3A_4 = vector.load %arg1[%get3A_2, %get3A_3] : memref<64x12544xf32, #tpu.memory_space<vmem>>, vector<64x12544xf32>
    %convert_element_type3A_5 = arith.truncf %get3A_4 : vector<64x12544xf32> to vector<64x12544xbf16>
    %dot_general3A = arith.constant dense<0.000000e+00> : vector<12544x128xf32>
    %dot_general3A_6 = tpu.matmul %convert_element_type3A_5, %convert_element_type3A, %dot_general3A {dimension_numbers = #tpu.dot_dimension_numbers<[0], [1], [1], [0], [0, 1, 1, 0], [], []>, transpose_lhs_hint = true} : vector<64x12544xbf16>, vector<128x64xbf16>, vector<12544x128xf32> -> vector<12544x128xf32>
    %get3A_7 = arith.constant 0 : index
    %get3A_8 = arith.constant 0 : index
    %get3A_9 = vector.load %arg2[%get3A_7, %get3A_8] : memref<64x12544xf32, #tpu.memory_space<vmem>>, vector<64x12544xf32>
    %convert_element_type3A_10 = arith.truncf %get3A_9 : vector<64x12544xf32> to vector<64x12544xbf16>
    %dot_general3A_11 = arith.constant dense<0.000000e+00> : vector<12544x128xf32>
    %dot_general3A_12 = tpu.matmul %convert_element_type3A_10, %convert_element_type3A, %dot_general3A_11 {dimension_numbers = #tpu.dot_dimension_numbers<[0], [1], [1], [0], [0, 1, 1, 0], [], []>, transpose_lhs_hint = true} : vector<64x12544xbf16>, vector<128x64xbf16>, vector<12544x128xf32> -> vector<12544x128xf32>
    %convert_element_type3A_13 = arith.truncf %dot_general3A_6 : vector<12544x128xf32> to vector<12544x128xbf16>
    %bitcast_convert_type3A = tpu.bitcast %convert_element_type3A_13 : vector<12544x128xbf16> -> vector<12544x128xi16>
    %convert_element_type3A_14 = arith.extui %bitcast_convert_type3A : vector<12544x128xi16> to vector<12544x128xi32>
    %convert_element_type3A_15 = arith.truncf %dot_general3A_12 : vector<12544x128xf32> to vector<12544x128xbf16>
    %bitcast_convert_type3A_16 = tpu.bitcast %convert_element_type3A_15 : vector<12544x128xbf16> -> vector<12544x128xi16>
    %convert_element_type3A_17 = arith.extui %bitcast_convert_type3A_16 : vector<12544x128xi16> to vector<12544x128xi32>
    %shift_left3A = arith.constant 16 : i32
    %shift_left3A_18 = vector.broadcast %shift_left3A : i32 to vector<12544x128xi32>
    %shift_left3A_19 = arith.shli %convert_element_type3A_17, %shift_left3A_18 : vector<12544x128xi32>
    %or3A = arith.ori %convert_element_type3A_14, %shift_left3A_19 : vector<12544x128xi32>
    %bitcast_convert_type3A_20 = tpu.bitcast %or3A : vector<12544x128xi32> -> vector<12544x128xf32>
    %swap3A = arith.constant 0 : index
    %swap3A_21 = arith.constant 0 : index
    %swap3A_22 = vector.load %arg4[%swap3A, %swap3A_21] : memref<12544x128xf32, #tpu.memory_space<vmem>>, vector<12544x128xf32>
    tpu.vector_store %arg4[%swap3A, %swap3A_21], %bitcast_convert_type3A_20 {strides = array<i32>} : memref<12544x128xf32, #tpu.memory_space<vmem>>, vector<12544x128xf32>,
    return
  }
  func.func @transform_0(%arg0: i32) -> (i32, i32) {
    %c0_i32 = arith.constant 0 : i32
    %c0_i32_0 = arith.constant 0 : i32
    return %c0_i32, %arg0 : i32, i32
  }
  func.func @transform_1(%arg0: i32) -> (i32, i32) {
    %add3A = arith.constant 4 : i32
    %add3A_0 = arith.addi %arg0, %add3A : i32
    %c0_i32 = arith.constant 0 : i32
    %c0_i32_1 = arith.constant 0 : i32
    return %c0_i32, %add3A_0 : i32, i32
  }
  func.func @transform_2(%arg0: i32) -> (i32, i32) {
    %c0_i32 = arith.constant 0 : i32
    %c0_i32_0 = arith.constant 0 : i32
    %c0_i32_1 = arith.constant 0 : i32
    return %c0_i32, %c0_i32_0 : i32, i32
  }
  func.func @transform_3(%arg0: i32) -> (i32, i32) {
    %c0_i32 = arith.constant 0 : i32
    %c0_i32_0 = arith.constant 0 : i32
    return %arg0, %c0_i32 : i32, i32
  }
}

module attributes {stable_mosaic.version = 14 : i64} {
  func.func @_proj_body_bias(%arg0: i32, %arg1: memref<64x12544xf32, #tpu.memory_space<vmem>>, %arg2: memref<64x12544xf32, #tpu.memory_space<vmem>>, %arg3: memref<128x128xf32, #tpu.memory_space<vmem>>, %arg4: memref<1x128xf32, #tpu.memory_space<vmem>>, %arg5: memref<12544x128xf32, #tpu.memory_space<vmem>>) attributes {dimension_semantics = [#tpu.dimension_semantics<arbitrary>], iteration_bounds = array<i64: 4>, scalar_prefetch = 0 : i64, scratch_operands = 0 : i64, tpu.core_type = #tpu.core_type<tc>, window_params = [{transform_indices = @transform_0, window_bounds = array<i64: 64, 12544>}, {transform_indices = @transform_1, window_bounds = array<i64: 64, 12544>}, {pipeline_mode = #tpu.pipeline_mode<synchronous>, transform_indices = @transform_2, window_bounds = array<i64: 128, 128>}, {pipeline_mode = #tpu.pipeline_mode<synchronous>, transform_indices = @transform_3, window_bounds = array<i64: 1, 128>}, {transform_indices = @transform_4, window_bounds = array<i64: 12544, 128>}]} {
    %get3A = arith.constant 0 : index
    %get3A_0 = arith.constant 0 : index
    %get3A_1 = vector.load %arg3[%get3A, %get3A_0] : memref<128x128xf32, #tpu.memory_space<vmem>>, vector<128x128xf32>
    %slice3A = vector.extract_strided_slice %get3A_1 {offsets = [0, 0], sizes = [128, 64], strides = [1, 1]} : vector<128x128xf32> to vector<128x64xf32>
    %convert_element_type3A = arith.truncf %slice3A : vector<128x64xf32> to vector<128x64xbf16>
    %get3A_2 = arith.constant 0 : index
    %get3A_3 = arith.constant 0 : index
    %get3A_4 = vector.load %arg1[%get3A_2, %get3A_3] : memref<64x12544xf32, #tpu.memory_space<vmem>>, vector<64x12544xf32>
    %convert_element_type3A_5 = arith.truncf %get3A_4 : vector<64x12544xf32> to vector<64x12544xbf16>
    %dot_general3A = arith.constant dense<0.000000e+00> : vector<12544x128xf32>
    %dot_general3A_6 = tpu.matmul %convert_element_type3A_5, %convert_element_type3A, %dot_general3A {dimension_numbers = #tpu.dot_dimension_numbers<[0], [1], [1], [0], [0, 1, 1, 0], [], []>, transpose_lhs_hint = true} : vector<64x12544xbf16>, vector<128x64xbf16>, vector<12544x128xf32> -> vector<12544x128xf32>
    %get3A_7 = arith.constant 0 : index
    %get3A_8 = arith.constant 0 : index
    %get3A_9 = vector.load %arg4[%get3A_7, %get3A_8] : memref<1x128xf32, #tpu.memory_space<vmem>>, vector<1x128xf32>
    %add3A = vector.broadcast %get3A_9 : vector<1x128xf32> to vector<12544x128xf32>
    %add3A_10 = arith.addf %dot_general3A_6, %add3A : vector<12544x128xf32>
    %get3A_11 = arith.constant 0 : index
    %get3A_12 = arith.constant 0 : index
    %get3A_13 = vector.load %arg2[%get3A_11, %get3A_12] : memref<64x12544xf32, #tpu.memory_space<vmem>>, vector<64x12544xf32>
    %convert_element_type3A_14 = arith.truncf %get3A_13 : vector<64x12544xf32> to vector<64x12544xbf16>
    %dot_general3A_15 = arith.constant dense<0.000000e+00> : vector<12544x128xf32>
    %dot_general3A_16 = tpu.matmul %convert_element_type3A_14, %convert_element_type3A, %dot_general3A_15 {dimension_numbers = #tpu.dot_dimension_numbers<[0], [1], [1], [0], [0, 1, 1, 0], [], []>, transpose_lhs_hint = true} : vector<64x12544xbf16>, vector<128x64xbf16>, vector<12544x128xf32> -> vector<12544x128xf32>
    %get3A_17 = arith.constant 0 : index
    %get3A_18 = arith.constant 0 : index
    %get3A_19 = vector.load %arg4[%get3A_17, %get3A_18] : memref<1x128xf32, #tpu.memory_space<vmem>>, vector<1x128xf32>
    %add3A_20 = vector.broadcast %get3A_19 : vector<1x128xf32> to vector<12544x128xf32>
    %add3A_21 = arith.addf %dot_general3A_16, %add3A_20 : vector<12544x128xf32>
    %convert_element_type3A_22 = arith.truncf %add3A_10 : vector<12544x128xf32> to vector<12544x128xbf16>
    %bitcast_convert_type3A = tpu.bitcast %convert_element_type3A_22 : vector<12544x128xbf16> -> vector<12544x128xi16>
    %convert_element_type3A_23 = arith.extui %bitcast_convert_type3A : vector<12544x128xi16> to vector<12544x128xi32>
    %convert_element_type3A_24 = arith.truncf %add3A_21 : vector<12544x128xf32> to vector<12544x128xbf16>
    %bitcast_convert_type3A_25 = tpu.bitcast %convert_element_type3A_24 : vector<12544x128xbf16> -> vector<12544x128xi16>
    %convert_element_type3A_26 = arith.extui %bitcast_convert_type3A_25 : vector<12544x128xi16> to vector<12544x128xi32>
    %shift_left3A = arith.constant 16 : i32
    %shift_left3A_27 = vector.broadcast %shift_left3A : i32 to vector<12544x128xi32>
    %shift_left3A_28 = arith.shli %convert_element_type3A_26, %shift_left3A_27 : vector<12544x128xi32>
    %or3A = arith.ori %convert_element_type3A_23, %shift_left3A_28 : vector<12544x128xi32>
    %bitcast_convert_type3A_29 = tpu.bitcast %or3A : vector<12544x128xi32> -> vector<12544x128xf32>
    %swap3A = arith.constant 0 : index
    %swap3A_30 = arith.constant 0 : index
    %swap3A_31 = vector.load %arg5[%swap3A, %swap3A_30] : memref<12544x128xf32, #tpu.memory_space<vmem>>, vector<12544x128xf32>
    tpu.vector_store %arg5[%swap3A, %swap3A_30], %bitcast_convert_type3A_29 {strides = array<i32>} : memref<12544x128xf32, #tpu.memory_space<vmem>>, vector<12544x128xf32>,
    return
  }
  func.func @transform_0(%arg0: i32) -> (i32, i32) {
    %c0_i32 = arith.constant 0 : i32
    %c0_i32_0 = arith.constant 0 : i32
    return %c0_i32, %arg0 : i32, i32
  }
  func.func @transform_1(%arg0: i32) -> (i32, i32) {
    %add3A = arith.constant 4 : i32
    %add3A_0 = arith.addi %arg0, %add3A : i32
    %c0_i32 = arith.constant 0 : i32
    %c0_i32_1 = arith.constant 0 : i32
    return %c0_i32, %add3A_0 : i32, i32
  }
  func.func @transform_2(%arg0: i32) -> (i32, i32) {
    %c0_i32 = arith.constant 0 : i32
    %c0_i32_0 = arith.constant 0 : i32
    %c0_i32_1 = arith.constant 0 : i32
    return %c0_i32, %c0_i32_0 : i32, i32
  }
  func.func @transform_3(%arg0: i32) -> (i32, i32) {
    %c0_i32 = arith.constant 0 : i32
    %c0_i32_0 = arith.constant 0 : i32
    %c0_i32_1 = arith.constant 0 : i32
    return %c0_i32, %c0_i32_0 : i32, i32
  }
  func.func @transform_4(%arg0: i32) -> (i32, i32) {
    %c0_i32 = arith.constant 0 : i32
    %c0_i32_0 = arith.constant 0 : i32
    return %arg0, %c0_i32 : i32, i32
  }
}

module attributes {stable_mosaic.version = 14 : i64} {
  func.func @_addrelu_body(%arg0: i32, %arg1: memref<8192x128xf32, #tpu.memory_space<vmem>>, %arg2: memref<8192x128xf32, #tpu.memory_space<vmem>>, %arg3: memref<8192x1xi8, #tpu.memory_space<vmem>>, %arg4: memref<8192x1xi8, #tpu.memory_space<vmem>>, %arg5: memref<8192x128xf32, #tpu.memory_space<vmem>>) attributes {dimension_semantics = [#tpu.dimension_semantics<arbitrary>], iteration_bounds = array<i64: 2>, scalar_prefetch = 0 : i64, scratch_operands = 0 : i64, tpu.core_type = #tpu.core_type<tc>, window_params = [{transform_indices = @transform_0, window_bounds = array<i64: 8192, 128>}, {transform_indices = @transform_1, window_bounds = array<i64: 8192, 128>}, {transform_indices = @transform_2, window_bounds = array<i64: 8192, 1>}, {transform_indices = @transform_3, window_bounds = array<i64: 8192, 1>}, {transform_indices = @transform_4, window_bounds = array<i64: 8192, 128>}]} {
    %get3A = arith.constant 0 : index
    %get3A_0 = arith.constant 0 : index
    %get3A_1 = vector.load %arg1[%get3A, %get3A_0] : memref<8192x128xf32, #tpu.memory_space<vmem>>, vector<8192x128xf32>
    %get3A_2 = arith.constant 0 : index
    %get3A_3 = arith.constant 0 : index
    %get3A_4 = vector.load %arg3[%get3A_2, %get3A_3] : memref<8192x1xi8, #tpu.memory_space<vmem>>, vector<8192x1xi8>
    %convert_element_type3A = arith.extsi %get3A_4 : vector<8192x1xi8> to vector<8192x1xi32>
    %bitcast_convert_type3A = tpu.bitcast %get3A_1 : vector<8192x128xf32> -> vector<8192x128xi32>
    %shift_right_logical3A = vector.broadcast %convert_element_type3A : vector<8192x1xi32> to vector<8192x128xi32>
    %shift_right_logical3A_5 = arith.shrui %bitcast_convert_type3A, %shift_right_logical3A : vector<8192x128xi32>
    %and3A = arith.constant 65535 : i32
    %and3A_6 = vector.broadcast %and3A : i32 to vector<8192x128xi32>
    %and3A_7 = arith.andi %shift_right_logical3A_5, %and3A_6 : vector<8192x128xi32>
    %convert_element_type3A_8 = arith.trunci %and3A_7 : vector<8192x128xi32> to vector<8192x128xi16>
    %bitcast_convert_type3A_9 = tpu.bitcast %convert_element_type3A_8 : vector<8192x128xi16> -> vector<8192x128xbf16>
    %convert_element_type3A_10 = arith.extf %bitcast_convert_type3A_9 : vector<8192x128xbf16> to vector<8192x128xf32>
    %get3A_11 = arith.constant 0 : index
    %get3A_12 = arith.constant 0 : index
    %get3A_13 = vector.load %arg2[%get3A_11, %get3A_12] : memref<8192x128xf32, #tpu.memory_space<vmem>>, vector<8192x128xf32>
    %get3A_14 = arith.constant 0 : index
    %get3A_15 = arith.constant 0 : index
    %get3A_16 = vector.load %arg4[%get3A_14, %get3A_15] : memref<8192x1xi8, #tpu.memory_space<vmem>>, vector<8192x1xi8>
    %convert_element_type3A_17 = arith.extsi %get3A_16 : vector<8192x1xi8> to vector<8192x1xi32>
    %bitcast_convert_type3A_18 = tpu.bitcast %get3A_13 : vector<8192x128xf32> -> vector<8192x128xi32>
    %shift_right_logical3A_19 = vector.broadcast %convert_element_type3A_17 : vector<8192x1xi32> to vector<8192x128xi32>
    %shift_right_logical3A_20 = arith.shrui %bitcast_convert_type3A_18, %shift_right_logical3A_19 : vector<8192x128xi32>
    %and3A_21 = arith.constant 65535 : i32
    %and3A_22 = vector.broadcast %and3A_21 : i32 to vector<8192x128xi32>
    %and3A_23 = arith.andi %shift_right_logical3A_20, %and3A_22 : vector<8192x128xi32>
    %convert_element_type3A_24 = arith.trunci %and3A_23 : vector<8192x128xi32> to vector<8192x128xi16>
    %bitcast_convert_type3A_25 = tpu.bitcast %convert_element_type3A_24 : vector<8192x128xi16> -> vector<8192x128xbf16>
    %convert_element_type3A_26 = arith.extf %bitcast_convert_type3A_25 : vector<8192x128xbf16> to vector<8192x128xf32>
    %add3A = arith.addf %convert_element_type3A_10, %convert_element_type3A_26 : vector<8192x128xf32>
    %max3A = arith.constant 0.000000e+00 : f32
    %max3A_27 = vector.broadcast %max3A : f32 to vector<8192x128xf32>
    %max3A_28 = arith.maximumf %add3A, %max3A_27 : vector<8192x128xf32>
    %swap3A = arith.constant 0 : index
    %swap3A_29 = arith.constant 0 : index
    %swap3A_30 = vector.load %arg5[%swap3A, %swap3A_29] : memref<8192x128xf32, #tpu.memory_space<vmem>>, vector<8192x128xf32>
    tpu.vector_store %arg5[%swap3A, %swap3A_29], %max3A_28 {strides = array<i32>} : memref<8192x128xf32, #tpu.memory_space<vmem>>, vector<8192x128xf32>,
    return
  }
  func.func @transform_0(%arg0: i32) -> (i32, i32) {
    %c0_i32 = arith.constant 0 : i32
    %c0_i32_0 = arith.constant 0 : i32
    return %arg0, %c0_i32 : i32, i32
  }
  func.func @transform_1(%arg0: i32) -> (i32, i32) {
    %c0_i32 = arith.constant 0 : i32
    %c0_i32_0 = arith.constant 0 : i32
    return %arg0, %c0_i32 : i32, i32
  }
  func.func @transform_2(%arg0: i32) -> (i32, i32) {
    %c0_i32 = arith.constant 0 : i32
    %c0_i32_0 = arith.constant 0 : i32
    return %arg0, %c0_i32 : i32, i32
  }
  func.func @transform_3(%arg0: i32) -> (i32, i32) {
    %c0_i32 = arith.constant 0 : i32
    %c0_i32_0 = arith.constant 0 : i32
    return %arg0, %c0_i32 : i32, i32
  }
  func.func @transform_4(%arg0: i32) -> (i32, i32) {
    %c0_i32 = arith.constant 0 : i32
    %c0_i32_0 = arith.constant 0 : i32
    return %arg0, %c0_i32 : i32, i32
  }
}

</mosaic_0001>

<sc_bundles>
// kernel: kernel.10.cloned.1.call-start
scs
__scs_entry_jumppad:
0x0: {  	(pc) =	sbr.rel $0x88, $3  }
0x1: {  	(tag) =	ssettag $0x0;
	lr =	simm.s32 $0x1  }
0x2: {  	[smem:$0x3F9B] =	sst lr;
	_ =	strace $0xD0000000  }
0x3: {  	_ = 	snop  }
0x4: {  	_ = 	snop  }
0x5: {  	_ = 	snop  }
0x6: {  	_ = 	snop  }
0x7: {  	_ = 	snop  }
__scs_overlays_trampoline_lowered:
0x8: {  	[smem:$0x3FAA] =	sst s0  }
0x9: {  	[smem:$0x3FAB] =	sst s1  }
0xa: {  	[smem:$0x3FAC] =	sst s2  }
0xb: {  	[smem:$0x3FAD] =	sst s3  }
0xc: {  	[smem:$0x3FAE] =	sst s4  }
0xd: {  	[smem:$0x3FAF] =	sst s5  }
0xe: {  	[smem:$0x3FB0] =	sst s6  }
0xf: {  	[smem:$0x3FB1] =	sst s7  }
0x10: {  	[smem:$0x3FB2] =	sst s8  }
0x11: {  	[smem:$0x3FB3] =	sst s9;
	s0 =	simm.s32 @!p0 $0x0  }
0x12: {  	s1 =	sld [smem:$0x3F99];
	s0 =	simm.s32 @p0 $0x1  }
0x13: {  	[smem:$0x3FB4] =	sst s0;
	s0 =	simm.s32 @!p1 $0x0  }
0x14: {  	s2 =	sld [smem:$0x3F98];
	s0 =	simm.s32 @p1 $0x1  }
0x15: {  	[smem:$0x3FB5] =	sst s0;
	s0 =	simm.s32 @!p2 $0x0  }
0x16: {  	s3 =	sld [smem:$0x3FDB];
	s0 =	simm.s32 @p2 $0x1  }
0x17: {  	s4 =	simm.s32 $0x1BF5;
	[smem:$0x3FB7] =	sst s0  }
0x18: {  	s0 =	sld [smem:$0x3F9A];
	_ =	swait.ge [sflag:s4], $0x0  }
0x19: {  	s7 =	sld [smem:$0x3F9B]  }
0x1a: {  	s8 =	sadd.s32 $0xFFFFE003, lr  }
0x1b: {  	s9 =	sadd.s32 $0xFFFFFEF7, lr;
	s5 =	simm.s32 $0xFFFFFFFF;
	p2 =	slt.u32 s8, $0xFFFFF086  }
0x1c: {  	p1 =	slt.u32 s9, $0xF7A;
	s5 =	simm.s32 @!p2 $0x0  }
0x1d: {  	s5 =	simm.s32 @p1 $0x1;
	p0 =	seq.s32 s7, s2  }
0x1e: {  	s7 =	smul.u32 @!p0 $0xF7A, s2;
	p2 =	seq.s32 @!p0 s5, $0x0  }
0x1f: {  	s9 =	smul.u32 $0xF7A, s1;
	s8 =	simm.s32 @!p0 $0x1BF5;
	p2 =	por !p2, p0  }
0x20: {  	[sflag:s8] =	ssyncset.s32 @!p0 $0xFFFFF086;
	s6 =	sadd.s32 @!p0 s3, s7;
	s7 =	simm.s32 @!p0 $0x108  }
0x21: {  	s3 =	sadd.s32 s3, s9;
	s6 =	sadd.s32 @!p0 $0x88, s6;
	s7 =	simm.s32 @p2 $0x1082  }
0x22: {  	[simem:s7], [sflag:s8] =	dma.local @!p0 [hbm:s6], $0xF7A  }
0x23: {  	s9 =	sor.u32 $0xD0000000, s2;
	s6 =	simm.s32 $0x108;
	_ =	swait.ge @!p0 [sflag:s8], $0x0  }
0x24: {  	s3 =	sadd.s32 $0x88, s3;
	s6 =	simm.s32 @!p1 $0x1082;
	[sflag:s4] =	ssyncset.s32 $0xFFFFF086  }
0x25: {  	[simem:s6], [sflag:s4] =	dma.local [hbm:s3], $0xF7A  }
0x26: {  	[smem:$0x3F9B] =	sst s1;
	(tag) =	ssettag s2;
	_ =	strace s9  }
0x27: {  	s1 =	sld [smem:$0x3FAB]  }
0x28: {  	s2 =	sld [smem:$0x3FAC]  }
0x29: {  	s4 =	sld [smem:$0x3FAE]  }
0x2a: {  	p0 =	seq.s32 s5, $0x0;
	s5 =	sld [smem:$0x3FAF]  }
0x2b: {  	s6 =	sld [smem:$0x3FB0]  }
0x2c: {  	s7 =	sld [smem:$0x3FB1]  }
0x2d: {  	s3 =	simm.s32 $0x108;
	s8 =	sld [smem:$0x3FB2]  }
0x2e: {  	s3 =	simm.s32 @!p0 $0x1082;
	s9 =	sld [smem:$0x3FB3]  }
0x2f: {  	lr =	sadd.s32 s0, s3;
	s0 =	sld [smem:$0x3FAA]  }
0x30: {  	s3 =	sld [smem:$0x3FAD]  }
0x31: {  	[smem:$0x3FB6] =	sst s10  }
0x32: {  	s10 =	sld [smem:$0x3FB4];
	_ =	sdelay $0x3  }
0x33: {  	p0 =	seq.s32 s10, $0x1;
	s10 =	sld [smem:$0x3FB6];
	_ =	sdelay $0x3  }
0x34: {  	[smem:$0x3FB6] =	sst s10  }
0x35: {  	s10 =	sld [smem:$0x3FB5];
	_ =	sdelay $0x3  }
0x36: {  	p1 =	seq.s32 s10, $0x1;
	s10 =	sld [smem:$0x3FB6];
	_ =	sdelay $0x3  }
0x37: {  	[smem:$0x3FB6] =	sst s10  }
0x38: {  	s10 =	sld [smem:$0x3FB7]  }
0x39: {  	_ = 	snop;
	(pc) =	sbr.ind lr, $3  }
0x3a: {  	_ = 	snop  }
0x3b: {  	_ = 	snop  }
0x3c: {  	p2 =	seq.s32 s10, $0x1;
	s10 =	sld [smem:$0x3FB6]  }
0x3d: {  	_ =	shalt  }
0x3e: {  	_ =	shalt  }
0x3f: {  	_ =	shalt  }
0x40: {  	_ =	shalt  }
0x41: {  	_ =	shalt  }
0x42: {  	_ =	shalt  }
0x43: {  	_ =	shalt  }
0x44: {  	_ =	shalt  }
0x45: {  	_ =	shalt  }
0x46: {  	_ =	shalt  }
0x47: {  	_ =	shalt  }
0x48: {  	_ =	shalt  }
0x49: {  	_ =	shalt  }
0x4a: {  	_ =	shalt  }
0x4b: {  	_ =	shalt  }
0x4c: {  	_ =	shalt  }
0x4d: {  	_ =	shalt  }
0x4e: {  	_ =	shalt  }
0x4f: {  	_ =	shalt  }
0x50: {  	_ =	shalt  }
0x51: {  	_ =	shalt  }
0x52: {  	_ =	shalt  }
0x53: {  	_ =	shalt  }
0x54: {  	_ =	shalt  }
0x55: {  	_ =	shalt  }
0x56: {  	_ =	shalt  }
0x57: {  	_ =	shalt  }
0x58: {  	_ =	shalt  }
0x59: {  	_ =	shalt  }
0x5a: {  	_ =	shalt  }
0x5b: {  	_ =	shalt  }
0x5c: {  	_ =	shalt  }
0x5d: {  	_ =	shalt  }
0x5e: {  	_ =	shalt  }
0x5f: {  	_ =	shalt  }
0x60: {  	_ =	shalt  }
0x61: {  	_ =	shalt  }
0x62: {  	_ =	shalt  }
0x63: {  	_ =	shalt  }
0x64: {  	_ =	shalt  }
0x65: {  	_ =	shalt  }
0x66: {  	_ =	shalt  }
0x67: {  	_ =	shalt  }
0x68: {  	_ =	shalt  }
0x69: {  	_ =	shalt  }
0x6a: {  	_ =	shalt  }
0x6b: {  	_ =	shalt  }
0x6c: {  	_ =	shalt  }
0x6d: {  	_ =	shalt  }
0x6e: {  	_ =	shalt  }
0x6f: {  	_ =	shalt  }
0x70: {  	_ =	shalt  }
0x71: {  	_ =	shalt  }
0x72: {  	_ =	shalt  }
0x73: {  	_ =	shalt  }
0x74: {  	_ =	shalt  }
0x75: {  	_ =	shalt  }
0x76: {  	_ =	shalt  }
0x77: {  	_ =	shalt  }
0x78: {  	_ =	shalt  }
0x79: {  	_ =	shalt  }
0x7a: {  	_ =	shalt  }
0x7b: {  	_ =	shalt  }
0x7c: {  	_ =	shalt  }
0x7d: {  	_ =	shalt  }
0x7e: {  	_ =	shalt  }
0x7f: {  	_ =	shalt  }
0x80: {  	_ =	shalt  }
0x81: {  	_ =	shalt  }
0x82: {  	_ =	shalt  }
0x83: {  	_ =	shalt  }
0x84: {  	_ =	shalt  }
0x85: {  	_ =	shalt  }
0x86: {  	_ =	shalt  }
0x87: {  	_ =	shalt  }
.Lfunc_end0:
.L_simem_size_0:
called_computation.1_lowered:
.L_overlay_start_0:
0x88: {  	s2 =	sld [smem:$0x3FD9]  }
0x89: {  	s3 =	sld [smem:$0x3FFE];
	_ =	sdelay $0x1  }
0x8a: {  	s1 =	srdreg.scid  }
0x8b: {  	s0 =	sand.u32 $0x1, s1  }
0x8c: {  	s16 =	sshll.u32 s0, $0xA;
	s2 =	sadd.s32 s3, s2  }
0x8d: {  	s2 =	sadd.s32 s2, s16  }
0x8e: {  	[smem:$0x3FC2] =	sst s2  }
0x8f: {  	_ = 	snop  }
0x90: {  	(tm) =	ssettm $0x1  }
0x91: {  	s17 =	sld [smem:$0x3FFB];
	_ =	sdelay $0x3  }
0x92: {  	_ =	strace s17  }
0x93: {  	s2 =	sld [smem:$0x3FFC];
	_ =	sdelay $0x3  }
0x94: {  	_ =	strace s2  }
0x95: {  	s2 =	sld [smem:$0x3FFD];
	_ =	sdelay $0x3  }
0x96: {  	_ =	strace s2  }
0x97: {  	_ =	strace $0x8FFFFFFF  }
0x98: {  	s18 =	sld [smem:$0x3FDB];
	_ =	sdelay $0x1  }
0x99: {  	s19 =	simm.s32 $_scs_section_size  }
0x9a: {  	s4 =	simm.s32 $_size__tile_overlayer_lowered;
	s5 =	simm.s32 $_tile_overlayer_lowered  }
0x9b: {  	s22 =	simm.s32 $0x1BFF;
	s21 =	sshll.u32 s5, $0x1;
	s2 =	sadd.s32 s19, s18  }
0x9c: {  	s6 =	simm.s32 $0x0;
	s20 =	sshll.u32 s4, $0x1;
	s4 =	sadd.s32 s21, s2  }
0x9d: {  	[timem:s6], [sflag:s22] =	dma.local [hbm:s4], s20  }
0x9e: {  	_ =	swait.ge [sflag:s22], s20  }
0x9f: {  	s3 =	ssub.s32 $0x0, s20;
	[sflag:s22] =	ssyncset.done $0x0  }
0xa0: {  	[sflag:s22] =	ssyncadd.s32 s3;
	_ =	sdelay $0x1  }
0xa1: {  	s23 =	simm.s32 $0x1B8B  }
0xa2: {  	_ =	swait.ge [sflag:s23], $0x1  }
0xa3: {  	[sflag:s23] =	ssyncset.done $0x0  }
0xa4: {  	s25 =	simm.s32 $0x1B8E;
	s24 =	sld [smem:$0x3FFE];
	[sflag:s23] =	ssyncadd.s32 $0xFFFFFFFF  }
0xa5: {  	s26 =	simm.s32 $execute0_lowered;
	[smem:$0x3FD2] =	sst s25  }
0xa6: {  	s4 =	sshll.u32 s26, $0x1;
	_ =	strace $0x80000046;
	[dreg:$0x1] =	wrdreg $0xFFFFFFFF  }
0xa7: {  	s28 =	simm.s32 $_size_execute0_lowered;
	s2 =	sadd.s32 s2, s4;
	[dreg:$0x0] =	wrdreg $0x0  }
0xa8: {  	s4 =	sshll.u32 s28, $0x1;
	[dreg:$0x2] =	wrdreg s2  }
0xa9: {  	[dreg:$0x3] =	wrdreg s4  }
0xaa: {  	[dreg:$0x4] =	wrdreg $0xC0  }
0xab: {  	_ =	task [dreg:s6], $0x5FFFF  }
0xac: {  	[dreg:$0x1] =	wrdreg $0xFFFFFFFF  }
0xad: {  	[dreg:$0x0] =	wrdreg $0x60  }
0xae: {  	[dreg:$0x2] =	wrdreg s24  }
0xaf: {  	[dreg:$0x3] =	wrdreg $0xA  }
0xb0: {  	_ =	task.clear_ibuf [dreg:s6], $0x4FFFF;
	_ =	strace $0x90000046  }
0xb1: {  	s29 =	simm.s32 $0xA;
	_ =	strace $0x80000048  }
0xb2: {  	_ =	swait.ge [sflag:s29], $0x1  }
0xb3: {  	[sflag:s29] =	ssyncadd.s32 $0xFFFFFFFF  }
0xb4: {  	_ =	strace $0x90000048  }
0xb5: {  	_ =	sfence  }
0xb6: {  	s30 =	sld [smem:$0x0];
	_ =	sdelay $0x2  }
0xb7: {  	s31 =	sshll.u32 s1, $0xD;
	s1 =	sshrl.u32 s1, $0x2  }
0xb8: {  	s3 =	sand.u32 $0x4000, s31;
	s1 =	sadd.s32 s1, s30  }
0xb9: {  	s0 =	sor.u32 s3, s0;
	s1 =	sshll.u32 s1, $0x11  }
0xba: {  	s0 =	sor.u32 s1, s0  }
0xbb: {  	s0 =	sadd.s32 $0x8F2B, s0  }
0xbc: {  	[sflag:s0] =	ssyncadd.remote.s32 $0x1  }
0xbd: {  	_ =	sfence.sel $0xFFFF  }
0xbe: {  	[dreg:$0x0] =	wrdreg $0xFFFFFFFF;
	(pc) =	sbr.abs _section_cstart, $3  }
0xbf: {  	[dreg:$0x1] =	wrdreg $0xFFFFFFFF  }
0xc0: {  	_ =	task.clear_ibuf [dreg:s6], $0x2FFFF;
	_ =	strace $0x9FFFFFFF  }
0xc1: {  	(tm) =	ssettm $0x7FFFFFFF  }
tec
execute0_lowered:
.L_overlay_start_1:
0x0: {  	(tag) =	ssettag $0x1  }
0x1: {  	s1 =	srdreg.scid  }
0x2: {  	s0 =	stileid.u32;
	s14 =	sand.u32 $0x1, s1  }
0x3: {  	s29 =	sshll.u32 s0, $0xA;
	s2 =	sshll.u32 s14, $0x9  }
0x4: {  	s15 =	rddreg [dreg:$0x0];
	s16 =	sor.u32 s2, s29  }
0x5: {  	s1 =	rddreg [dreg:$0x1];
	s2 =	simm.s32 $0x0;
	s3 =	sshrl.u32 s16, $0x3  }
0x6: {  	[smem:$0x7FF] =	sst s2;
	s3 =	sadd.s32 s3, s15  }
0x7: {  	_ =	strace $0x80000047;
	s4 =	sadd.s32 $0x1600, s3;
	s3 =	simm.s32 $0x2  }
0x8: {  	[tilespmem:s2], [sflag:$0x2] =	stream.linear.gather [hbm4b:s4+s2], $0x200, $0x38;
	[tilespmem:$0x10200] =	vst v63  }
0x9: {  	_ =	swait.ge [sflag:s3], $0x200  }
0xa: {  	s6 =	simm.s32 $0x80;
	[sflag:s3] =	ssyncset.done $0x0  }
0xb: {  	s7 =	simm.s32 $0x200;
	s5 =	sadd.s32 $0x1E00, s15;
	[sflag:s3] =	ssyncadd.s32 $0xFFFFFE00  }
0xc: {  	[tilespmem:s7], [sflag:$0x1] =	stream.indirect.gather [hbm4b:s5+s6], $0x80, s2, s6, $0xb8;
	[tilespmem:$0x10200] =	vst v63  }
0xd: {  	s8 =	simm.s32 $0x4200  }
0xe: {  	[tilespmem:s8], [sflag:$0x1] =	stream.indirect.gather [hbm4b:s5+s6], $0x80, s6, s6, $0xb8;
	[tilespmem:$0x10200] =	vst v63  }
0xf: {  	s9 =	simm.s32 $0x100;
	s10 =	simm.s32 $0x8200  }
0x10: {  	[tilespmem:s10], [sflag:$0x1] =	stream.indirect.gather [hbm4b:s5+s6], $0x80, s9, s6, $0xb8;
	[tilespmem:$0x10200] =	vst v63  }
0x11: {  	s11 =	simm.s32 $0x180;
	s12 =	simm.s32 $0xC200;
	s13 =	simm.s32 $0x1  }
0x12: {  	[tilespmem:s12], [sflag:$0x1] =	stream.indirect.gather [hbm4b:s5+s6], $0x80, s11, s6, $0xb8;
	[tilespmem:$0x10200] =	vst v63  }
0x13: {  	_ =	swait.ge [sflag:s13], $0x4000  }
0x14: {  	[sflag:s13] =	ssyncset.done $0x0  }
0x15: {  	[sflag:s13] =	ssyncadd.s32 $0xFFFFC000  }
0x16: {  	_ =	swait.ge [sflag:s13], $0x4000  }
0x17: {  	[sflag:s13] =	ssyncset.done $0x0  }
0x18: {  	s14 =	ssub.s32 $0x2, s14;
	[sflag:s13] =	ssyncadd.s32 $0xFFFFC000  }
0x19: {  	s17 =	sshrl.u32 s14, $0x1;
	_ =	swait.ge [sflag:s13], $0x4000  }
0x1a: {  	s30 =	ssub.s32 s14, s17;
	[sflag:s13] =	ssyncset.done $0x0  }
0x1b: {  	s31 =	smax.u32 s30, $0x1;
	[sflag:s13] =	ssyncadd.s32 $0xFFFFC000  }
0x1c: {  	s16 =	sshll.u32 s16, $0x4;
	p0 =	sne.s32 s31, $0x1;
	_ =	swait.ge [sflag:s13], $0x4000  }
.Ltmp0:
0x1d: {  	s15 =	sadd.s32 s16, s15;
	[sflag:s13] =	ssyncset.done $0x0;
	(pc) =	sbr.rel @!p0 .LBB2_2-.Ltmp0, $4  }
0x1e: {  	s14 =	sadd.s32 $0xC5E00, s15;
	[sflag:s13] =	ssyncadd.s32 $0xFFFFC000  }
0x1f: {  	[hbm4b:s14+s2] =	stream.linear.scatter [tilespmem:s7], [sflag:$0x2], $0x10000, $0x38;
	[tilespmem:$0x10200] =	vst v63  }
0x20: {  	_ =	swait.ge [sflag:s3], $0x10000  }
0x21: {  	s15 =	sadd.s32 $0xFFFFFFFF, s31;
	[sflag:s3] =	ssyncset.done $0x0  }
.LBB2_1:
0x22: {  	p0 =	sne.s32 s15, $0x1;
	s15 =	sadd.s32 $0xFFFFFFFF, s15;
	[sflag:s3] =	ssyncadd.s32 $0xFFFF0000  }
0x23: {  	[tilespmem:s2], [sflag:$0x2] =	stream.linear.gather [hbm4b:s4+s2], $0x200, $0x38;
	[tilespmem:$0x10200] =	vst v63  }
0x24: {  	_ =	swait.ge [sflag:s3], $0x200  }
0x25: {  	[sflag:s3] =	ssyncset.done $0x0  }
0x26: {  	[sflag:s3] =	ssyncadd.s32 $0xFFFFFE00  }
0x27: {  	[tilespmem:s7], [sflag:$0x1] =	stream.indirect.gather [hbm4b:s5+s6], $0x80, s2, s6, $0xb8;
	[tilespmem:$0x10200] =	vst v63  }
0x28: {  	_ = 	snop  }
0x29: {  	[tilespmem:s8], [sflag:$0x1] =	stream.indirect.gather [hbm4b:s5+s6], $0x80, s6, s6, $0xb8;
	[tilespmem:$0x10200] =	vst v63  }
0x2a: {  	_ = 	snop  }
0x2b: {  	[tilespmem:s10], [sflag:$0x1] =	stream.indirect.gather [hbm4b:s5+s6], $0x80, s9, s6, $0xb8;
	[tilespmem:$0x10200] =	vst v63  }
0x2c: {  	_ = 	snop  }
0x2d: {  	[tilespmem:s12], [sflag:$0x1] =	stream.indirect.gather [hbm4b:s5+s6], $0x80, s11, s6, $0xb8;
	[tilespmem:$0x10200] =	vst v63  }
0x2e: {  	_ =	swait.ge [sflag:s13], $0x4000  }
0x2f: {  	[sflag:s13] =	ssyncset.done $0x0  }
0x30: {  	[sflag:s13] =	ssyncadd.s32 $0xFFFFC000  }
0x31: {  	_ =	swait.ge [sflag:s13], $0x4000  }
0x32: {  	[sflag:s13] =	ssyncset.done $0x0  }
0x33: {  	[sflag:s13] =	ssyncadd.s32 $0xFFFFC000  }
0x34: {  	_ =	swait.ge [sflag:s13], $0x4000  }
0x35: {  	[sflag:s13] =	ssyncset.done $0x0  }
0x36: {  	[sflag:s13] =	ssyncadd.s32 $0xFFFFC000  }
0x37: {  	_ =	swait.ge [sflag:s13], $0x4000  }
.Ltmp1:
0x38: {  	[sflag:s13] =	ssyncset.done $0x0;
	(pc) =	sbr.rel @p0 .LBB2_1-.Ltmp1, $4  }
0x39: {  	[sflag:s13] =	ssyncadd.s32 $0xFFFFC000  }
0x3a: {  	[hbm4b:s14+s2] =	stream.linear.scatter [tilespmem:s7], [sflag:$0x2], $0x10000, $0x38;
	[tilespmem:$0x10200] =	vst v63  }
0x3b: {  	_ =	swait.ge [sflag:s3], $0x10000  }
0x3c: {  	[sflag:s3] =	ssyncset.done $0x0  }
.LBB2_2:
0x3d: {  	[sflag:s3] =	ssyncadd.s32 $0xFFFF0000  }
0x3e: {  	_ =	sfence.sel $0x180000  }
0x3f: {  	[bflag:$0x0] =	sbarrier.arrive $0xFFFF  }
0x40: {  	p0 =	sne.s32 s0, $0x0;
	_ =	strace $0x90000047  }
0x41: {  	s0 =	sadd.s32 @!p0 $0x100000, s1;
	[bflag:$0x2] =	sbarrier.arrive $0xFFFF  }
0x42: {  	[sflag:s0] =	ssyncadd.tile.s32 @!p0 $0x1;
	_ =	shalt  }
.Lfunc_end2:
_tile_overlayer_lowered:
.L_overlay_start_2:
0x43: {  	(tag) =	ssettag $0x2  }
0x44: {  	s0 =	rddreg [dreg:$0x0];
	s2 =	stileid.u32  }
0x45: {  	s1 =	rddreg [dreg:$0x1];
	p0 =	sne.s32 s2, $0x0  }
0x46: {  	s3 =	rddreg [dreg:$0x2];
	[bflag:$0x3] =	sbarrier.arrive $0xFFFF;
	s2 =	simm.s32 @!p0 $0x1C02  }
0x47: {  	[timem:s3], [sflag:s2] =	dma.local @!p0 [hbm:s0], s1  }
0x48: {  	s0 =	simm.s32 @!p0 $0x2  }
0x49: {  	_ =	swait.ge @!p0 [sflag:s0], s1  }
0x4a: {  	s1 =	ssub.s32 @!p0 $0x0, s1;
	[sflag:s0] =	ssyncset.done @!p0 $0x0  }
0x4b: {  	[sflag:s0] =	ssyncadd.s32 @!p0 s1  }
0x4c: {  	[bflag:$0x3] =	sbarrier.arrive $0xFFFF  }
0x4d: {  	_ =	shalt  }

// kernel: kernel.7.cloned.1.call-start
scs
__scs_entry_jumppad:
0x0: {  	(pc) =	sbr.rel $0x88, $3  }
0x1: {  	(tag) =	ssettag $0x0;
	lr =	simm.s32 $0x1  }
0x2: {  	[smem:$0x3F9B] =	sst lr;
	_ =	strace $0xD0000000  }
0x3: {  	_ = 	snop  }
0x4: {  	_ = 	snop  }
0x5: {  	_ = 	snop  }
0x6: {  	_ = 	snop  }
0x7: {  	_ = 	snop  }
__scs_overlays_trampoline_lowered:
0x8: {  	[smem:$0x3FAA] =	sst s0  }
0x9: {  	[smem:$0x3FAB] =	sst s1  }
0xa: {  	[smem:$0x3FAC] =	sst s2  }
0xb: {  	[smem:$0x3FAD] =	sst s3  }
0xc: {  	[smem:$0x3FAE] =	sst s4  }
0xd: {  	[smem:$0x3FAF] =	sst s5  }
0xe: {  	[smem:$0x3FB0] =	sst s6  }
0xf: {  	[smem:$0x3FB1] =	sst s7  }
0x10: {  	[smem:$0x3FB2] =	sst s8  }
0x11: {  	[smem:$0x3FB3] =	sst s9;
	s0 =	simm.s32 @!p0 $0x0  }
0x12: {  	s1 =	sld [smem:$0x3F99];
	s0 =	simm.s32 @p0 $0x1  }
0x13: {  	[smem:$0x3FB4] =	sst s0;
	s0 =	simm.s32 @!p1 $0x0  }
0x14: {  	s2 =	sld [smem:$0x3F98];
	s0 =	simm.s32 @p1 $0x1  }
0x15: {  	[smem:$0x3FB5] =	sst s0;
	s0 =	simm.s32 @!p2 $0x0  }
0x16: {  	s3 =	sld [smem:$0x3FDB];
	s0 =	simm.s32 @p2 $0x1  }
0x17: {  	s4 =	simm.s32 $0x1BF5;
	[smem:$0x3FB7] =	sst s0  }
0x18: {  	s0 =	sld [smem:$0x3F9A];
	_ =	swait.ge [sflag:s4], $0x0  }
0x19: {  	s7 =	sld [smem:$0x3F9B]  }
0x1a: {  	s8 =	sadd.s32 $0xFFFFE003, lr  }
0x1b: {  	s9 =	sadd.s32 $0xFFFFFEF7, lr;
	s5 =	simm.s32 $0xFFFFFFFF;
	p2 =	slt.u32 s8, $0xFFFFF086  }
0x1c: {  	p1 =	slt.u32 s9, $0xF7A;
	s5 =	simm.s32 @!p2 $0x0  }
0x1d: {  	s5 =	simm.s32 @p1 $0x1;
	p0 =	seq.s32 s7, s2  }
0x1e: {  	s7 =	smul.u32 @!p0 $0xF7A, s2;
	p2 =	seq.s32 @!p0 s5, $0x0  }
0x1f: {  	s9 =	smul.u32 $0xF7A, s1;
	s8 =	simm.s32 @!p0 $0x1BF5;
	p2 =	por !p2, p0  }
0x20: {  	[sflag:s8] =	ssyncset.s32 @!p0 $0xFFFFF086;
	s6 =	sadd.s32 @!p0 s3, s7;
	s7 =	simm.s32 @!p0 $0x108  }
0x21: {  	s3 =	sadd.s32 s3, s9;
	s6 =	sadd.s32 @!p0 $0x88, s6;
	s7 =	simm.s32 @p2 $0x1082  }
0x22: {  	[simem:s7], [sflag:s8] =	dma.local @!p0 [hbm:s6], $0xF7A  }
0x23: {  	s9 =	sor.u32 $0xD0000000, s2;
	s6 =	simm.s32 $0x108;
	_ =	swait.ge @!p0 [sflag:s8], $0x0  }
0x24: {  	s3 =	sadd.s32 $0x88, s3;
	s6 =	simm.s32 @!p1 $0x1082;
	[sflag:s4] =	ssyncset.s32 $0xFFFFF086  }
0x25: {  	[simem:s6], [sflag:s4] =	dma.local [hbm:s3], $0xF7A  }
0x26: {  	[smem:$0x3F9B] =	sst s1;
	(tag) =	ssettag s2;
	_ =	strace s9  }
0x27: {  	s1 =	sld [smem:$0x3FAB]  }
0x28: {  	s2 =	sld [smem:$0x3FAC]  }
0x29: {  	s4 =	sld [smem:$0x3FAE]  }
0x2a: {  	p0 =	seq.s32 s5, $0x0;
	s5 =	sld [smem:$0x3FAF]  }
0x2b: {  	s6 =	sld [smem:$0x3FB0]  }
0x2c: {  	s7 =	sld [smem:$0x3FB1]  }
0x2d: {  	s3 =	simm.s32 $0x108;
	s8 =	sld [smem:$0x3FB2]  }
0x2e: {  	s3 =	simm.s32 @!p0 $0x1082;
	s9 =	sld [smem:$0x3FB3]  }
0x2f: {  	lr =	sadd.s32 s0, s3;
	s0 =	sld [smem:$0x3FAA]  }
0x30: {  	s3 =	sld [smem:$0x3FAD]  }
0x31: {  	[smem:$0x3FB6] =	sst s10  }
0x32: {  	s10 =	sld [smem:$0x3FB4];
	_ =	sdelay $0x3  }
0x33: {  	p0 =	seq.s32 s10, $0x1;
	s10 =	sld [smem:$0x3FB6];
	_ =	sdelay $0x3  }
0x34: {  	[smem:$0x3FB6] =	sst s10  }
0x35: {  	s10 =	sld [smem:$0x3FB5];
	_ =	sdelay $0x3  }
0x36: {  	p1 =	seq.s32 s10, $0x1;
	s10 =	sld [smem:$0x3FB6];
	_ =	sdelay $0x3  }
0x37: {  	[smem:$0x3FB6] =	sst s10  }
0x38: {  	s10 =	sld [smem:$0x3FB7]  }
0x39: {  	_ = 	snop;
	(pc) =	sbr.ind lr, $3  }
0x3a: {  	_ = 	snop  }
0x3b: {  	_ = 	snop  }
0x3c: {  	p2 =	seq.s32 s10, $0x1;
	s10 =	sld [smem:$0x3FB6]  }
0x3d: {  	_ =	shalt  }
0x3e: {  	_ =	shalt  }
0x3f: {  	_ =	shalt  }
0x40: {  	_ =	shalt  }
0x41: {  	_ =	shalt  }
0x42: {  	_ =	shalt  }
0x43: {  	_ =	shalt  }
0x44: {  	_ =	shalt  }
0x45: {  	_ =	shalt  }
0x46: {  	_ =	shalt  }
0x47: {  	_ =	shalt  }
0x48: {  	_ =	shalt  }
0x49: {  	_ =	shalt  }
0x4a: {  	_ =	shalt  }
0x4b: {  	_ =	shalt  }
0x4c: {  	_ =	shalt  }
0x4d: {  	_ =	shalt  }
0x4e: {  	_ =	shalt  }
0x4f: {  	_ =	shalt  }
0x50: {  	_ =	shalt  }
0x51: {  	_ =	shalt  }
0x52: {  	_ =	shalt  }
0x53: {  	_ =	shalt  }
0x54: {  	_ =	shalt  }
0x55: {  	_ =	shalt  }
0x56: {  	_ =	shalt  }
0x57: {  	_ =	shalt  }
0x58: {  	_ =	shalt  }
0x59: {  	_ =	shalt  }
0x5a: {  	_ =	shalt  }
0x5b: {  	_ =	shalt  }
0x5c: {  	_ =	shalt  }
0x5d: {  	_ =	shalt  }
0x5e: {  	_ =	shalt  }
0x5f: {  	_ =	shalt  }
0x60: {  	_ =	shalt  }
0x61: {  	_ =	shalt  }
0x62: {  	_ =	shalt  }
0x63: {  	_ =	shalt  }
0x64: {  	_ =	shalt  }
0x65: {  	_ =	shalt  }
0x66: {  	_ =	shalt  }
0x67: {  	_ =	shalt  }
0x68: {  	_ =	shalt  }
0x69: {  	_ =	shalt  }
0x6a: {  	_ =	shalt  }
0x6b: {  	_ =	shalt  }
0x6c: {  	_ =	shalt  }
0x6d: {  	_ =	shalt  }
0x6e: {  	_ =	shalt  }
0x6f: {  	_ =	shalt  }
0x70: {  	_ =	shalt  }
0x71: {  	_ =	shalt  }
0x72: {  	_ =	shalt  }
0x73: {  	_ =	shalt  }
0x74: {  	_ =	shalt  }
0x75: {  	_ =	shalt  }
0x76: {  	_ =	shalt  }
0x77: {  	_ =	shalt  }
0x78: {  	_ =	shalt  }
0x79: {  	_ =	shalt  }
0x7a: {  	_ =	shalt  }
0x7b: {  	_ =	shalt  }
0x7c: {  	_ =	shalt  }
0x7d: {  	_ =	shalt  }
0x7e: {  	_ =	shalt  }
0x7f: {  	_ =	shalt  }
0x80: {  	_ =	shalt  }
0x81: {  	_ =	shalt  }
0x82: {  	_ =	shalt  }
0x83: {  	_ =	shalt  }
0x84: {  	_ =	shalt  }
0x85: {  	_ =	shalt  }
0x86: {  	_ =	shalt  }
0x87: {  	_ =	shalt  }
.Lfunc_end0:
.L_simem_size_0:
called_computation_lowered:
.L_overlay_start_0:
0x88: {  	s2 =	sld [smem:$0x3FD9]  }
0x89: {  	s3 =	sld [smem:$0x3FFE];
	_ =	sdelay $0x1  }
0x8a: {  	s1 =	srdreg.scid  }
0x8b: {  	s0 =	sand.u32 $0x1, s1  }
0x8c: {  	s17 =	sshll.u32 s0, $0xA;
	s2 =	sadd.s32 s3, s2  }
0x8d: {  	s2 =	sadd.s32 s2, s17  }
0x8e: {  	[smem:$0x3FC2] =	sst s2  }
0x8f: {  	_ = 	snop  }
0x90: {  	s18 =	sld [smem:$0x3FD0];
	(tm) =	ssettm $0x1  }
0x91: {  	s19 =	sld [smem:$0x3FFB];
	_ =	sdelay $0x3  }
0x92: {  	_ =	strace s19  }
0x93: {  	s2 =	sld [smem:$0x3FFC];
	_ =	sdelay $0x3  }
0x94: {  	_ =	strace s2  }
0x95: {  	s2 =	sld [smem:$0x3FFD];
	_ =	sdelay $0x3  }
0x96: {  	_ =	strace s2  }
0x97: {  	_ =	strace $0x8FFFFFFF  }
0x98: {  	s20 =	sld [smem:$0x3FDB];
	_ =	sdelay $0x1  }
0x99: {  	s4 =	simm.s32 $_scs_section_size  }
0x9a: {  	s5 =	simm.s32 $_size__tile_overlayer_lowered;
	s6 =	simm.s32 $_tile_overlayer_lowered  }
0x9b: {  	s7 =	simm.s32 $0x1BFF;
	s21 =	sshll.u32 s6, $0x1;
	s4 =	sadd.s32 s4, s20  }
0x9c: {  	s22 =	simm.s32 $0x0;
	s5 =	sshll.u32 s5, $0x1;
	s6 =	sadd.s32 s21, s4  }
0x9d: {  	[timem:s22], [sflag:s7] =	dma.local [hbm:s6], s5  }
0x9e: {  	_ =	swait.ge [sflag:s7], s5  }
0x9f: {  	s5 =	ssub.s32 $0x0, s5;
	[sflag:s7] =	ssyncset.done $0x0  }
0xa0: {  	[sflag:s7] =	ssyncadd.s32 s5;
	_ =	sdelay $0x1  }
0xa1: {  	s23 =	simm.s32 $0x1B8B  }
0xa2: {  	_ =	swait.ge [sflag:s23], $0x1  }
0xa3: {  	[sflag:s23] =	ssyncset.done $0x0  }
0xa4: {  	[sflag:s23] =	ssyncadd.s32 $0xFFFFFFFF  }
0xa5: {  	s5 =	sld [smem:$0x0]  }
0xa6: {  	s6 =	sand.u32 $0xFFFFFFFE, s1  }
0xa7: {  	p0 =	sne.s32 s1, s6  }
0xa8: {  	s6 =	sshll.u32 @p0 s6, $0xE  }
0xa9: {  	s6 =	sadd.s32 @p0 $0x11B8D, s6;
	s7 =	sshll.u32 @p0 s5, $0x11  }
0xaa: {  	s6 =	sor.u32 @p0 s7, s6  }
0xab: {  	[sflag:s6] =	ssyncadd.remote.s32 @p0 $0x1;
	_ =	sdelay $0x1  }
0xac: {  	s6 =	simm.s32 @p0 $0x1B8D  }
0xad: {  	_ =	swait.eq @p0 [sflag:s6], $0x1  }
0xae: {  	[sflag:s6] =	ssyncadd.s32 @p0 $0xFFFFFFFF  }
0xaf: {  	s7 =	sshll.u32 @!p0 s1, $0xE  }
0xb0: {  	s7 =	sor.u32 @!p0 $0x4000, s7;
	s6 =	simm.s32 @!p0 $0x1B8D  }
0xb1: {  	s5 =	sshll.u32 @!p0 s5, $0x11;
	s7 =	sadd.s32 @!p0 $0x11B8D, s7;
	_ =	swait.eq @!p0 [sflag:s6], $0x1  }
0xb2: {  	s5 =	sor.u32 @!p0 s5, s7;
	[sflag:s6] =	ssyncadd.s32 @!p0 $0xFFFFFFFF  }
0xb3: {  	s25 =	simm.s32 $0x1B8E;
	s24 =	sld [smem:$0x3FFE];
	[sflag:s5] =	ssyncadd.remote.s32 @!p0 $0x1  }
0xb4: {  	s26 =	simm.s32 $execute0_lowered;
	[smem:$0x3FD2] =	sst s25  }
0xb5: {  	s6 =	sshll.u32 s26, $0x1;
	_ =	strace $0x80000049;
	[dreg:$0x1] =	wrdreg $0xFFFFFFFF  }
0xb6: {  	s28 =	simm.s32 $_size_execute0_lowered;
	s4 =	sadd.s32 s4, s6;
	[dreg:$0x0] =	wrdreg $0x0  }
0xb7: {  	s6 =	sshll.u32 s28, $0x1;
	[dreg:$0x2] =	wrdreg s4  }
0xb8: {  	[dreg:$0x3] =	wrdreg s6  }
0xb9: {  	[dreg:$0x4] =	wrdreg $0xC0  }
0xba: {  	_ =	task [dreg:s22], $0x5FFFF  }
0xbb: {  	[dreg:$0x1] =	wrdreg $0xFFFFFFFF  }
0xbc: {  	[dreg:$0x0] =	wrdreg $0x60  }
0xbd: {  	[dreg:$0x2] =	wrdreg s24  }
0xbe: {  	[dreg:$0x3] =	wrdreg s18  }
0xbf: {  	[dreg:$0x4] =	wrdreg $0x9  }
0xc0: {  	_ =	task.clear_ibuf [dreg:s22], $0x5FFFF;
	_ =	strace $0x90000049  }
0xc1: {  	s29 =	simm.s32 $0x9;
	_ =	strace $0x8000004B  }
0xc2: {  	_ =	swait.ge [sflag:s29], $0x1  }
0xc3: {  	[sflag:s29] =	ssyncadd.s32 $0xFFFFFFFF  }
0xc4: {  	_ =	strace $0x9000004B  }
0xc5: {  	_ =	sfence  }
0xc6: {  	s30 =	sld [smem:$0x0];
	_ =	sdelay $0x2  }
0xc7: {  	s31 =	sshll.u32 s1, $0xD;
	s1 =	sshrl.u32 s1, $0x2  }
0xc8: {  	s4 =	sand.u32 $0x4000, s31;
	s1 =	sadd.s32 s1, s30  }
0xc9: {  	s0 =	sor.u32 s4, s0;
	s1 =	sshll.u32 s1, $0x11  }
0xca: {  	s0 =	sor.u32 s1, s0  }
0xcb: {  	s0 =	sadd.s32 $0x8F2B, s0  }
0xcc: {  	[sflag:s0] =	ssyncadd.remote.s32 $0x1  }
0xcd: {  	_ =	sfence.sel $0xFFFF  }
0xce: {  	[dreg:$0x0] =	wrdreg $0xFFFFFFFF;
	(pc) =	sbr.abs _section_cstart, $3  }
0xcf: {  	[dreg:$0x1] =	wrdreg $0xFFFFFFFF  }
0xd0: {  	_ =	task.clear_ibuf [dreg:s22], $0x2FFFF;
	_ =	strace $0x9FFFFFFF  }
0xd1: {  	(tm) =	ssettm $0x7FFFFFFF  }
tec
execute0_lowered:
.L_overlay_start_1:
0x0: {  	(tag) =	ssettag $0x1  }
0x1: {  	s1 =	srdreg.scid  }
0x2: {  	s0 =	stileid.u32;
	s14 =	sand.u32 $0x1, s1  }
0x3: {  	s5 =	rddreg [dreg:$0x0];
	s29 =	sshll.u32 s0, $0xA;
	s2 =	sshll.u32 s14, $0x9  }
0x4: {  	s15 =	rddreg [dreg:$0x1];
	s16 =	sor.u32 s2, s29  }
0x5: {  	s1 =	rddreg [dreg:$0x2];
	s2 =	simm.s32 $0x0;
	s3 =	sshrl.u32 s16, $0x3  }
0x6: {  	[smem:$0x7FF] =	sst s2;
	s3 =	sadd.s32 s3, s5  }
0x7: {  	_ =	strace $0x8000004A;
	s4 =	sadd.s32 $0x1C9E00, s3;
	s3 =	simm.s32 $0x2  }
0x8: {  	[tilespmem:s2], [sflag:$0x2] =	stream.linear.gather [hbm4b:s4+s2], $0x200, $0x38;
	[tilespmem:$0x10200] =	vst v63  }
0x9: {  	_ =	swait.ge [sflag:s3], $0x200  }
0xa: {  	s6 =	simm.s32 $0x80;
	[sflag:s3] =	ssyncset.done $0x0  }
0xb: {  	s7 =	simm.s32 $0x200;
	s5 =	sadd.s32 $0x105E00, s5;
	[sflag:s3] =	ssyncadd.s32 $0xFFFFFE00  }
0xc: {  	[tilespmem:s7], [sflag:$0x1] =	stream.indirect.gather [hbm4b:s5+s6], $0x80, s2, s6, $0xb8;
	[tilespmem:$0x10200] =	vst v63  }
0xd: {  	s8 =	simm.s32 $0x4200  }
0xe: {  	[tilespmem:s8], [sflag:$0x1] =	stream.indirect.gather [hbm4b:s5+s6], $0x80, s6, s6, $0xb8;
	[tilespmem:$0x10200] =	vst v63  }
0xf: {  	s9 =	simm.s32 $0x100;
	s10 =	simm.s32 $0x8200  }
0x10: {  	[tilespmem:s10], [sflag:$0x1] =	stream.indirect.gather [hbm4b:s5+s6], $0x80, s9, s6, $0xb8;
	[tilespmem:$0x10200] =	vst v63  }
0x11: {  	s11 =	simm.s32 $0x180;
	s12 =	simm.s32 $0xC200;
	s13 =	simm.s32 $0x1  }
0x12: {  	[tilespmem:s12], [sflag:$0x1] =	stream.indirect.gather [hbm4b:s5+s6], $0x80, s11, s6, $0xb8;
	[tilespmem:$0x10200] =	vst v63  }
0x13: {  	_ =	swait.ge [sflag:s13], $0x4000  }
0x14: {  	[sflag:s13] =	ssyncset.done $0x0  }
0x15: {  	[sflag:s13] =	ssyncadd.s32 $0xFFFFC000  }
0x16: {  	_ =	swait.ge [sflag:s13], $0x4000  }
0x17: {  	[sflag:s13] =	ssyncset.done $0x0  }
0x18: {  	s14 =	ssub.s32 $0x2, s14;
	[sflag:s13] =	ssyncadd.s32 $0xFFFFC000  }
0x19: {  	s17 =	sshrl.u32 s14, $0x1;
	_ =	swait.ge [sflag:s13], $0x4000  }
0x1a: {  	s17 =	ssub.s32 s14, s17;
	[sflag:s13] =	ssyncset.done $0x0  }
0x1b: {  	s31 =	smax.u32 s17, $0x1;
	[sflag:s13] =	ssyncadd.s32 $0xFFFFC000  }
0x1c: {  	p0 =	sne.s32 s31, $0x1;
	_ =	swait.ge [sflag:s13], $0x4000  }
.Ltmp0:
0x1d: {  	s30 =	sshll.u32 s16, $0x4;
	[sflag:s13] =	ssyncset.done $0x0;
	(pc) =	sbr.rel @!p0 .LBB2_2-.Ltmp0, $4  }
0x1e: {  	s14 =	sadd.s32 s15, s30;
	[sflag:s13] =	ssyncadd.s32 $0xFFFFC000  }
0x1f: {  	[hbm4b:s14+s2] =	stream.linear.scatter [tilespmem:s7], [sflag:$0x2], $0x10000, $0x38;
	[tilespmem:$0x10200] =	vst v63  }
0x20: {  	_ =	swait.ge [sflag:s3], $0x10000  }
0x21: {  	s15 =	sadd.s32 $0xFFFFFFFF, s31;
	[sflag:s3] =	ssyncset.done $0x0  }
.LBB2_1:
0x22: {  	p0 =	sne.s32 s15, $0x1;
	s15 =	sadd.s32 $0xFFFFFFFF, s15;
	[sflag:s3] =	ssyncadd.s32 $0xFFFF0000  }
0x23: {  	[tilespmem:s2], [sflag:$0x2] =	stream.linear.gather [hbm4b:s4+s2], $0x200, $0x38;
	[tilespmem:$0x10200] =	vst v63  }
0x24: {  	_ =	swait.ge [sflag:s3], $0x200  }
0x25: {  	[sflag:s3] =	ssyncset.done $0x0  }
0x26: {  	[sflag:s3] =	ssyncadd.s32 $0xFFFFFE00  }
0x27: {  	[tilespmem:s7], [sflag:$0x1] =	stream.indirect.gather [hbm4b:s5+s6], $0x80, s2, s6, $0xb8;
	[tilespmem:$0x10200] =	vst v63  }
0x28: {  	_ = 	snop  }
0x29: {  	[tilespmem:s8], [sflag:$0x1] =	stream.indirect.gather [hbm4b:s5+s6], $0x80, s6, s6, $0xb8;
	[tilespmem:$0x10200] =	vst v63  }
0x2a: {  	_ = 	snop  }
0x2b: {  	[tilespmem:s10], [sflag:$0x1] =	stream.indirect.gather [hbm4b:s5+s6], $0x80, s9, s6, $0xb8;
	[tilespmem:$0x10200] =	vst v63  }
0x2c: {  	_ = 	snop  }
0x2d: {  	[tilespmem:s12], [sflag:$0x1] =	stream.indirect.gather [hbm4b:s5+s6], $0x80, s11, s6, $0xb8;
	[tilespmem:$0x10200] =	vst v63  }
0x2e: {  	_ =	swait.ge [sflag:s13], $0x4000  }
0x2f: {  	[sflag:s13] =	ssyncset.done $0x0  }
0x30: {  	[sflag:s13] =	ssyncadd.s32 $0xFFFFC000  }
0x31: {  	_ =	swait.ge [sflag:s13], $0x4000  }
0x32: {  	[sflag:s13] =	ssyncset.done $0x0  }
0x33: {  	[sflag:s13] =	ssyncadd.s32 $0xFFFFC000  }
0x34: {  	_ =	swait.ge [sflag:s13], $0x4000  }
0x35: {  	[sflag:s13] =	ssyncset.done $0x0  }
0x36: {  	[sflag:s13] =	ssyncadd.s32 $0xFFFFC000  }
0x37: {  	_ =	swait.ge [sflag:s13], $0x4000  }
.Ltmp1:
0x38: {  	[sflag:s13] =	ssyncset.done $0x0;
	(pc) =	sbr.rel @p0 .LBB2_1-.Ltmp1, $4  }
0x39: {  	[sflag:s13] =	ssyncadd.s32 $0xFFFFC000  }
0x3a: {  	[hbm4b:s14+s2] =	stream.linear.scatter [tilespmem:s7], [sflag:$0x2], $0x10000, $0x38;
	[tilespmem:$0x10200] =	vst v63  }
0x3b: {  	_ =	swait.ge [sflag:s3], $0x10000  }
0x3c: {  	[sflag:s3] =	ssyncset.done $0x0  }
.LBB2_2:
0x3d: {  	[sflag:s3] =	ssyncadd.s32 $0xFFFF0000  }
0x3e: {  	_ =	sfence.sel $0x180000  }
0x3f: {  	[bflag:$0x0] =	sbarrier.arrive $0xFFFF  }
0x40: {  	p0 =	sne.s32 s0, $0x0;
	_ =	strace $0x9000004A  }
0x41: {  	s0 =	sadd.s32 @!p0 $0x100000, s1;
	[bflag:$0x2] =	sbarrier.arrive $0xFFFF  }
0x42: {  	[sflag:s0] =	ssyncadd.tile.s32 @!p0 $0x1;
	_ =	shalt  }
.Lfunc_end2:
_tile_overlayer_lowered:
.L_overlay_start_2:
0x43: {  	(tag) =	ssettag $0x2  }
0x44: {  	s0 =	rddreg [dreg:$0x0];
	s2 =	stileid.u32  }
0x45: {  	s1 =	rddreg [dreg:$0x1];
	p0 =	sne.s32 s2, $0x0  }
0x46: {  	s3 =	rddreg [dreg:$0x2];
	[bflag:$0x3] =	sbarrier.arrive $0xFFFF;
	s2 =	simm.s32 @!p0 $0x1C02  }
0x47: {  	[timem:s3], [sflag:s2] =	dma.local @!p0 [hbm:s0], s1  }
0x48: {  	s0 =	simm.s32 @!p0 $0x2  }
0x49: {  	_ =	swait.ge @!p0 [sflag:s0], s1  }
0x4a: {  	s1 =	ssub.s32 @!p0 $0x0, s1;
	[sflag:s0] =	ssyncset.done @!p0 $0x0  }
0x4b: {  	[sflag:s0] =	ssyncadd.s32 @!p0 s1  }
0x4c: {  	[bflag:$0x3] =	sbarrier.arrive $0xFFFF  }
0x4d: {  	_ =	shalt  }

</sc_bundles>
